<compile_context>
chip_gen: v7x
topology: tpu7x:2x2x1
jax: 0.10.2.dev20260603
libtpu: 0.0.44.dev20260713+nightly
codegen_flags: <defaults>
</compile_context>

<pallas_src>
import functools

import jax
import jax.numpy as jnp
from jax import lax
from jax.experimental import pallas as pl
from jax.experimental.pallas import tpu as pltpu
from jax.experimental.pallas import tpu_sc as plsc

_NC = 2
_NS = 16
_L = 16
_NW = _NC * _NS
_DB = 128


def _sc_body(x_hbm, emb_hbm, out_hbm, buf, embrow, in_sem, out_sem):
    B, T, S, D = x_hbm.shape
    ND = D // _DB
    NQ = (B * T * ND) // _NW

    wid = lax.axis_index("s") * _NC + lax.axis_index("c")
    q0 = wid * NQ

    def coords(q):
        g = q0 + q
        slab = g // ND
        dj = lax.rem(g, ND)
        b = slab // T
        t = lax.rem(slab, T)
        return b, t, dj

    def in_copy(q, slot):
        b, t, dj = coords(q)
        return pltpu.make_async_copy(
            x_hbm.at[b, t, :, pl.ds(dj * _DB, _DB)], buf.at[slot],
            in_sem.at[slot],
        )

    def out_copy(q, slot):
        b, t, dj = coords(q)
        return pltpu.make_async_copy(
            buf.at[slot], out_hbm.at[b, t, :, pl.ds(dj * _DB, _DB)],
            out_sem.at[slot],
        )

    in_copy(0, 0).start()
    in_copy(1, 1).start()
    in_copy(2, 2).start()
    in_copy(3, 3).start()

    def step(q, carry):
        slot = lax.rem(q, 5)
        b, t, dj = coords(q)

        @pl.when(dj == 0)
        def _():
            pltpu.sync_copy(emb_hbm.at[t], embrow)

        in_copy(q, slot).wait()

        for j in range(_DB // _L):
            ev = embrow[0, pl.ds(dj * _DB + j * _L, _L)]

            def rloop(r, c, j=j, ev=ev, slot=slot):
                plsc.addupdate(buf.at[slot, r, pl.ds(j * _L, _L)], ev)
                return c

            lax.fori_loop(0, S, rloop, 0, unroll=7)

        out_copy(q, slot).start()

        nq = q + 4
        nslot = lax.rem(nq, 5)

        @pl.when(nq < NQ)
        def _():
            @pl.when(q >= 1)
            def _():
                out_copy(q - 1, nslot).wait()

            in_copy(nq, nslot).start()

        return carry

    lax.fori_loop(0, NQ, step, 0)

    out_copy(NQ - 5, lax.rem(NQ - 5, 5)).wait()
    out_copy(NQ - 4, lax.rem(NQ - 4, 5)).wait()
    out_copy(NQ - 3, lax.rem(NQ - 3, 5)).wait()
    out_copy(NQ - 2, lax.rem(NQ - 2, 5)).wait()
    out_copy(NQ - 1, lax.rem(NQ - 1, 5)).wait()


def kernel(x, emb):
    B, T, S, D = x.shape
    emb3 = emb.reshape(T, 1, D)
    mesh = plsc.VectorSubcoreMesh(core_axis_name="c", subcore_axis_name="s")
    f = functools.partial(
        pl.kernel,
        mesh=mesh,
        out_type=jax.ShapeDtypeStruct((B, T, S, D), jnp.float32),
        scratch_types=[
            pltpu.VMEM((5, S, _DB), jnp.float32),
            pltpu.VMEM((1, D), jnp.float32),
            pltpu.SemaphoreType.DMA((5,)),
            pltpu.SemaphoreType.DMA((5,)),
        ],
    )(_sc_body)
    return f(x, emb3)

# --- scband reference (transcript-rebuilt; emitter-appended) ---
"""Pipeline reference for scband-temporal-embedding-86887188398779 (READ-ONLY COPY).

The authoritative reference and input builder live on the scoring server;
editing this copy changes nothing except your own understanding.
"""

import jax, jax.numpy as jnp
import numpy as np


def setup_inputs(seed: int = 0) -> dict:
    key = jax.random.key(seed)
    k1, k2 = jax.random.split(key)
    x = jax.random.normal(k1, (8, 32, 196, 768), dtype=jnp.float32)
    emb = jax.random.normal(k2, (32, 768), dtype=jnp.float32) * 0.02
    return {"x": x, "emb": emb}


def reference(x, emb):
    # positions = arange(T); t_emb = embedding(positions)
    T = x.shape[1]
    positions = jnp.arange(T, dtype=jnp.int32)
    t_emb = jnp.take(emb, positions, axis=0)        # [T, D]
    t_emb = t_emb[None, :, None, :]                  # unsqueeze(0).unsqueeze(2) -> [1, T, 1, D]
    return x + t_emb

if __name__ == "__main__":
    import jax
    _d = setup_inputs()
    print(jax.jit(kernel)(*tuple(_d.values())))

</pallas_src>

<mosaic_0001>
#map = affine_map<(d0, d1) -> (0, 0, 0, 0)>
#map1 = affine_map<(d0, d1) -> (0, 0, 0)>
module attributes {stable_mosaic.version = 14 : i64} {
  func.func @_sc_body(%arg0: i32, %arg1: i32, %arg2: memref<8x32x196x768xf32, #tpu.memory_space<hbm>>, %arg3: memref<32x1x768xf32, #tpu.memory_space<hbm>>, %arg4: memref<8x32x196x768xf32, #tpu.memory_space<hbm>>, %arg5: memref<5x196x128xf32, #tpu.memory_space<vmem>>, %arg6: memref<1x768xf32, #tpu.memory_space<vmem>>, %arg7: memref<5x!tpu.dma_semaphore, #tpu.memory_space<semaphore_mem>>, %arg8: memref<5x!tpu.dma_semaphore, #tpu.memory_space<semaphore_mem>>) attributes {dimension_semantics = [#tpu.dimension_semantics<core_parallel>, #tpu.dimension_semantics<subcore_parallel>], iteration_bounds = array<i64: 2, 16>, scalar_prefetch = 0 : i64, scratch_operands = 4 : i64, tpu.core_type = #tpu.core_type<sc_vector_subcore>, window_params = [{transform_indices = #map}, {transform_indices = #map1}, {transform_indices = #map}]} {
    %mul3A = arith.constant 2 : i32
    %mul3A_0 = arith.muli %arg1, %mul3A : i32
    %add3A = arith.addi %mul3A_0, %arg0 : i32
    %mul3A_1 = arith.constant 48 : i32
    %mul3A_2 = arith.muli %add3A, %mul3A_1 : i32
    %add3A_3 = arith.constant 0 : i32
    %add3A_4 = arith.addi %mul3A_2, %add3A_3 : i32
    %jit3A = arith.constant 6 : i32
    %div3A = arith.divsi %add3A_4, %jit3A : i32
    %sign3A = arith.constant 0 : i32
    %sign3A_5 = arith.cmpi sgt, %add3A_4, %sign3A : i32
    %sign3A_6 = arith.extui %sign3A_5 : i1 to i32
    %sign3A_7 = arith.constant 0 : i32
    %sign3A_8 = arith.cmpi slt, %add3A_4, %sign3A_7 : i32
    %sign3A_9 = arith.extui %sign3A_8 : i1 to i32
    %sign3A_10 = arith.subi %sign3A_6, %sign3A_9 : i32
    %sign3A_11 = arith.constant 0 : i32
    %sign3A_12 = arith.cmpi sgt, %jit3A, %sign3A_11 : i32
    %sign3A_13 = arith.extui %sign3A_12 : i1 to i32
    %sign3A_14 = arith.constant 0 : i32
    %sign3A_15 = arith.cmpi slt, %jit3A, %sign3A_14 : i32
    %sign3A_16 = arith.extui %sign3A_15 : i1 to i32
    %sign3A_17 = arith.subi %sign3A_13, %sign3A_16 : i32
    %ne3A = arith.cmpi ne, %sign3A_10, %sign3A_17 : i32
    %rem3A = arith.remsi %add3A_4, %jit3A : i32
    %ne3A_18 = arith.constant 0 : i32
    %ne3A_19 = arith.cmpi ne, %rem3A, %ne3A_18 : i32
    %and3A = arith.andi %ne3A, %ne3A_19 : i1
    %sub3A = arith.constant 1 : i32
    %sub3A_20 = arith.subi %div3A, %sub3A : i32
    %select_n3A = arith.select %and3A, %sub3A_20, %div3A : i32
    %rem3A_21 = arith.constant 6 : i32
    %rem3A_22 = arith.remsi %add3A_4, %rem3A_21 : i32
    %jit3A_23 = arith.constant 32 : i32
    %div3A_24 = arith.divsi %select_n3A, %jit3A_23 : i32
    %sign3A_25 = arith.constant 0 : i32
    %sign3A_26 = arith.cmpi sgt, %select_n3A, %sign3A_25 : i32
    %sign3A_27 = arith.extui %sign3A_26 : i1 to i32
    %sign3A_28 = arith.constant 0 : i32
    %sign3A_29 = arith.cmpi slt, %select_n3A, %sign3A_28 : i32
    %sign3A_30 = arith.extui %sign3A_29 : i1 to i32
    %sign3A_31 = arith.subi %sign3A_27, %sign3A_30 : i32
    %sign3A_32 = arith.constant 0 : i32
    %sign3A_33 = arith.cmpi sgt, %jit3A_23, %sign3A_32 : i32
    %sign3A_34 = arith.extui %sign3A_33 : i1 to i32
    %sign3A_35 = arith.constant 0 : i32
    %sign3A_36 = arith.cmpi slt, %jit3A_23, %sign3A_35 : i32
    %sign3A_37 = arith.extui %sign3A_36 : i1 to i32
    %sign3A_38 = arith.subi %sign3A_34, %sign3A_37 : i32
    %ne3A_39 = arith.cmpi ne, %sign3A_31, %sign3A_38 : i32
    %rem3A_40 = arith.remsi %select_n3A, %jit3A_23 : i32
    %ne3A_41 = arith.constant 0 : i32
    %ne3A_42 = arith.cmpi ne, %rem3A_40, %ne3A_41 : i32
    %and3A_43 = arith.andi %ne3A_39, %ne3A_42 : i1
    %sub3A_44 = arith.constant 1 : i32
    %sub3A_45 = arith.subi %div3A_24, %sub3A_44 : i32
    %select_n3A_46 = arith.select %and3A_43, %sub3A_45, %div3A_24 : i32
    %rem3A_47 = arith.constant 32 : i32
    %rem3A_48 = arith.remsi %select_n3A, %rem3A_47 : i32
    %mul3A_49 = arith.constant 128 : i32
    %mul3A_50 = arith.muli %rem3A_22, %mul3A_49 : i32
    %dma_start3A = arith.constant 0 : i32
    %dma_start3A_51 = arith.constant 0 : i32
    %dma_start3A_52 = arith.constant 0 : i32
    %dma_start3A_53 = arith.constant 0 : i32
    %dma_start3A_54 = tpu.memref_slice %arg5[%dma_start3A, %dma_start3A_52, %dma_start3A_53] : memref<5x196x128xf32, #tpu.memory_space<vmem>> -> memref<1x196x128xf32, #tpu.memory_space<vmem>>
    %dma_start3A_55 = tpu.memref_squeeze %dma_start3A_54 : memref<1x196x128xf32, #tpu.memory_space<vmem>> -> memref<196x128xf32, #tpu.memory_space<vmem>>
    %dma_start3A_56 = arith.constant 0 : i32
    %dma_start3A_57 = tpu.memref_slice %arg2[%select_n3A_46, %rem3A_48, %dma_start3A_56, %mul3A_50] : memref<8x32x196x768xf32, #tpu.memory_space<hbm>> -> memref<1x1x196x128xf32, #tpu.memory_space<hbm>>
    %dma_start3A_58 = tpu.memref_squeeze %dma_start3A_57 : memref<1x1x196x128xf32, #tpu.memory_space<hbm>> -> memref<196x128xf32, #tpu.memory_space<hbm>>
    %dma_start3A_59 = tpu.memref_slice %arg7[%dma_start3A_51] : memref<5x!tpu.dma_semaphore, #tpu.memory_space<semaphore_mem>> -> memref<1x!tpu.dma_semaphore, #tpu.memory_space<semaphore_mem>>
    %dma_start3A_60 = tpu.memref_squeeze %dma_start3A_59 : memref<1x!tpu.dma_semaphore, #tpu.memory_space<semaphore_mem>> -> memref<!tpu.dma_semaphore, #tpu.memory_space<semaphore_mem>>
    %dma_start3A_61 = arith.constant 0 : i32
    %dma_start3A_62 = arith.constant 0 : i32
    %dma_start3A_63 = tpu.memref_slice %arg5[%dma_start3A, %dma_start3A_61, %dma_start3A_62] : memref<5x196x128xf32, #tpu.memory_space<vmem>> -> memref<1x196x128xf32, #tpu.memory_space<vmem>>
    %dma_start3A_64 = tpu.memref_squeeze %dma_start3A_63 : memref<1x196x128xf32, #tpu.memory_space<vmem>> -> memref<196x128xf32, #tpu.memory_space<vmem>>
    %dma_start3A_65 = arith.constant 0 : i32
    %dma_start3A_66 = tpu.memref_slice %arg2[%select_n3A_46, %rem3A_48, %dma_start3A_65, %mul3A_50] : memref<8x32x196x768xf32, #tpu.memory_space<hbm>> -> memref<1x1x196x128xf32, #tpu.memory_space<hbm>>
    %dma_start3A_67 = tpu.memref_squeeze %dma_start3A_66 : memref<1x1x196x128xf32, #tpu.memory_space<hbm>> -> memref<196x128xf32, #tpu.memory_space<hbm>>
    tpu.enqueue_dma source(%dma_start3A_67 : memref<196x128xf32, #tpu.memory_space<hbm>>) target(%dma_start3A_64 : memref<196x128xf32, #tpu.memory_space<vmem>>) target_semaphore(%dma_start3A_60 : memref<!tpu.dma_semaphore, #tpu.memory_space<semaphore_mem>>)
    %add3A_68 = arith.constant 1 : i32
    %add3A_69 = arith.addi %mul3A_2, %add3A_68 : i32
    %jit3A_70 = arith.constant 6 : i32
    %div3A_71 = arith.divsi %add3A_69, %jit3A_70 : i32
    %sign3A_72 = arith.constant 0 : i32
    %sign3A_73 = arith.cmpi sgt, %add3A_69, %sign3A_72 : i32
    %sign3A_74 = arith.extui %sign3A_73 : i1 to i32
    %sign3A_75 = arith.constant 0 : i32
    %sign3A_76 = arith.cmpi slt, %add3A_69, %sign3A_75 : i32
    %sign3A_77 = arith.extui %sign3A_76 : i1 to i32
    %sign3A_78 = arith.subi %sign3A_74, %sign3A_77 : i32
    %sign3A_79 = arith.constant 0 : i32
    %sign3A_80 = arith.cmpi sgt, %jit3A_70, %sign3A_79 : i32
    %sign3A_81 = arith.extui %sign3A_80 : i1 to i32
    %sign3A_82 = arith.constant 0 : i32
    %sign3A_83 = arith.cmpi slt, %jit3A_70, %sign3A_82 : i32
    %sign3A_84 = arith.extui %sign3A_83 : i1 to i32
    %sign3A_85 = arith.subi %sign3A_81, %sign3A_84 : i32
    %ne3A_86 = arith.cmpi ne, %sign3A_78, %sign3A_85 : i32
    %rem3A_87 = arith.remsi %add3A_69, %jit3A_70 : i32
    %ne3A_88 = arith.constant 0 : i32
    %ne3A_89 = arith.cmpi ne, %rem3A_87, %ne3A_88 : i32
    %and3A_90 = arith.andi %ne3A_86, %ne3A_89 : i1
    %sub3A_91 = arith.constant 1 : i32
    %sub3A_92 = arith.subi %div3A_71, %sub3A_91 : i32
    %select_n3A_93 = arith.select %and3A_90, %sub3A_92, %div3A_71 : i32
    %rem3A_94 = arith.constant 6 : i32
    %rem3A_95 = arith.remsi %add3A_69, %rem3A_94 : i32
    %jit3A_96 = arith.constant 32 : i32
    %div3A_97 = arith.divsi %select_n3A_93, %jit3A_96 : i32
    %sign3A_98 = arith.constant 0 : i32
    %sign3A_99 = arith.cmpi sgt, %select_n3A_93, %sign3A_98 : i32
    %sign3A_100 = arith.extui %sign3A_99 : i1 to i32
    %sign3A_101 = arith.constant 0 : i32
    %sign3A_102 = arith.cmpi slt, %select_n3A_93, %sign3A_101 : i32
    %sign3A_103 = arith.extui %sign3A_102 : i1 to i32
    %sign3A_104 = arith.subi %sign3A_100, %sign3A_103 : i32
    %sign3A_105 = arith.constant 0 : i32
    %sign3A_106 = arith.cmpi sgt, %jit3A_96, %sign3A_105 : i32
    %sign3A_107 = arith.extui %sign3A_106 : i1 to i32
    %sign3A_108 = arith.constant 0 : i32
    %sign3A_109 = arith.cmpi slt, %jit3A_96, %sign3A_108 : i32
    %sign3A_110 = arith.extui %sign3A_109 : i1 to i32
    %sign3A_111 = arith.subi %sign3A_107, %sign3A_110 : i32
    %ne3A_112 = arith.cmpi ne, %sign3A_104, %sign3A_111 : i32
    %rem3A_113 = arith.remsi %select_n3A_93, %jit3A_96 : i32
    %ne3A_114 = arith.constant 0 : i32
    %ne3A_115 = arith.cmpi ne, %rem3A_113, %ne3A_114 : i32
    %and3A_116 = arith.andi %ne3A_112, %ne3A_115 : i1
    %sub3A_117 = arith.constant 1 : i32
    %sub3A_118 = arith.subi %div3A_97, %sub3A_117 : i32
    %select_n3A_119 = arith.select %and3A_116, %sub3A_118, %div3A_97 : i32
    %rem3A_120 = arith.constant 32 : i32
    %rem3A_121 = arith.remsi %select_n3A_93, %rem3A_120 : i32
    %mul3A_122 = arith.constant 128 : i32
    %mul3A_123 = arith.muli %rem3A_95, %mul3A_122 : i32
    %dma_start3A_124 = arith.constant 1 : i32
    %dma_start3A_125 = arith.constant 1 : i32
    %dma_start3A_126 = arith.constant 0 : i32
    %dma_start3A_127 = arith.constant 0 : i32
    %dma_start3A_128 = tpu.memref_slice %arg5[%dma_start3A_124, %dma_start3A_126, %dma_start3A_127] : memref<5x196x128xf32, #tpu.memory_space<vmem>> -> memref<1x196x128xf32, #tpu.memory_space<vmem>>
    %dma_start3A_129 = tpu.memref_squeeze %dma_start3A_128 : memref<1x196x128xf32, #tpu.memory_space<vmem>> -> memref<196x128xf32, #tpu.memory_space<vmem>>
    %dma_start3A_130 = arith.constant 0 : i32
    %dma_start3A_131 = tpu.memref_slice %arg2[%select_n3A_119, %rem3A_121, %dma_start3A_130, %mul3A_123] : memref<8x32x196x768xf32, #tpu.memory_space<hbm>> -> memref<1x1x196x128xf32, #tpu.memory_space<hbm>>
    %dma_start3A_132 = tpu.memref_squeeze %dma_start3A_131 : memref<1x1x196x128xf32, #tpu.memory_space<hbm>> -> memref<196x128xf32, #tpu.memory_space<hbm>>
    %dma_start3A_133 = tpu.memref_slice %arg7[%dma_start3A_125] : memref<5x!tpu.dma_semaphore, #tpu.memory_space<semaphore_mem>> -> memref<1x!tpu.dma_semaphore, #tpu.memory_space<semaphore_mem>>
    %dma_start3A_134 = tpu.memref_squeeze %dma_start3A_133 : memref<1x!tpu.dma_semaphore, #tpu.memory_space<semaphore_mem>> -> memref<!tpu.dma_semaphore, #tpu.memory_space<semaphore_mem>>
    %dma_start3A_135 = arith.constant 0 : i32
    %dma_start3A_136 = arith.constant 0 : i32
    %dma_start3A_137 = tpu.memref_slice %arg5[%dma_start3A_124, %dma_start3A_135, %dma_start3A_136] : memref<5x196x128xf32, #tpu.memory_space<vmem>> -> memref<1x196x128xf32, #tpu.memory_space<vmem>>
    %dma_start3A_138 = tpu.memref_squeeze %dma_start3A_137 : memref<1x196x128xf32, #tpu.memory_space<vmem>> -> memref<196x128xf32, #tpu.memory_space<vmem>>
    %dma_start3A_139 = arith.constant 0 : i32
    %dma_start3A_140 = tpu.memref_slice %arg2[%select_n3A_119, %rem3A_121, %dma_start3A_139, %mul3A_123] : memref<8x32x196x768xf32, #tpu.memory_space<hbm>> -> memref<1x1x196x128xf32, #tpu.memory_space<hbm>>
    %dma_start3A_141 = tpu.memref_squeeze %dma_start3A_140 : memref<1x1x196x128xf32, #tpu.memory_space<hbm>> -> memref<196x128xf32, #tpu.memory_space<hbm>>
    tpu.enqueue_dma source(%dma_start3A_141 : memref<196x128xf32, #tpu.memory_space<hbm>>) target(%dma_start3A_138 : memref<196x128xf32, #tpu.memory_space<vmem>>) target_semaphore(%dma_start3A_134 : memref<!tpu.dma_semaphore, #tpu.memory_space<semaphore_mem>>)
    %add3A_142 = arith.constant 2 : i32
    %add3A_143 = arith.addi %mul3A_2, %add3A_142 : i32
    %jit3A_144 = arith.constant 6 : i32
    %div3A_145 = arith.divsi %add3A_143, %jit3A_144 : i32
    %sign3A_146 = arith.constant 0 : i32
    %sign3A_147 = arith.cmpi sgt, %add3A_143, %sign3A_146 : i32
    %sign3A_148 = arith.extui %sign3A_147 : i1 to i32
    %sign3A_149 = arith.constant 0 : i32
    %sign3A_150 = arith.cmpi slt, %add3A_143, %sign3A_149 : i32
    %sign3A_151 = arith.extui %sign3A_150 : i1 to i32
    %sign3A_152 = arith.subi %sign3A_148, %sign3A_151 : i32
    %sign3A_153 = arith.constant 0 : i32
    %sign3A_154 = arith.cmpi sgt, %jit3A_144, %sign3A_153 : i32
    %sign3A_155 = arith.extui %sign3A_154 : i1 to i32
    %sign3A_156 = arith.constant 0 : i32
    %sign3A_157 = arith.cmpi slt, %jit3A_144, %sign3A_156 : i32
    %sign3A_158 = arith.extui %sign3A_157 : i1 to i32
    %sign3A_159 = arith.subi %sign3A_155, %sign3A_158 : i32
    %ne3A_160 = arith.cmpi ne, %sign3A_152, %sign3A_159 : i32
    %rem3A_161 = arith.remsi %add3A_143, %jit3A_144 : i32
    %ne3A_162 = arith.constant 0 : i32
    %ne3A_163 = arith.cmpi ne, %rem3A_161, %ne3A_162 : i32
    %and3A_164 = arith.andi %ne3A_160, %ne3A_163 : i1
    %sub3A_165 = arith.constant 1 : i32
    %sub3A_166 = arith.subi %div3A_145, %sub3A_165 : i32
    %select_n3A_167 = arith.select %and3A_164, %sub3A_166, %div3A_145 : i32
    %rem3A_168 = arith.constant 6 : i32
    %rem3A_169 = arith.remsi %add3A_143, %rem3A_168 : i32
    %jit3A_170 = arith.constant 32 : i32
    %div3A_171 = arith.divsi %select_n3A_167, %jit3A_170 : i32
    %sign3A_172 = arith.constant 0 : i32
    %sign3A_173 = arith.cmpi sgt, %select_n3A_167, %sign3A_172 : i32
    %sign3A_174 = arith.extui %sign3A_173 : i1 to i32
    %sign3A_175 = arith.constant 0 : i32
    %sign3A_176 = arith.cmpi slt, %select_n3A_167, %sign3A_175 : i32
    %sign3A_177 = arith.extui %sign3A_176 : i1 to i32
    %sign3A_178 = arith.subi %sign3A_174, %sign3A_177 : i32
    %sign3A_179 = arith.constant 0 : i32
    %sign3A_180 = arith.cmpi sgt, %jit3A_170, %sign3A_179 : i32
    %sign3A_181 = arith.extui %sign3A_180 : i1 to i32
    %sign3A_182 = arith.constant 0 : i32
    %sign3A_183 = arith.cmpi slt, %jit3A_170, %sign3A_182 : i32
    %sign3A_184 = arith.extui %sign3A_183 : i1 to i32
    %sign3A_185 = arith.subi %sign3A_181, %sign3A_184 : i32
    %ne3A_186 = arith.cmpi ne, %sign3A_178, %sign3A_185 : i32
    %rem3A_187 = arith.remsi %select_n3A_167, %jit3A_170 : i32
    %ne3A_188 = arith.constant 0 : i32
    %ne3A_189 = arith.cmpi ne, %rem3A_187, %ne3A_188 : i32
    %and3A_190 = arith.andi %ne3A_186, %ne3A_189 : i1
    %sub3A_191 = arith.constant 1 : i32
    %sub3A_192 = arith.subi %div3A_171, %sub3A_191 : i32
    %select_n3A_193 = arith.select %and3A_190, %sub3A_192, %div3A_171 : i32
    %rem3A_194 = arith.constant 32 : i32
    %rem3A_195 = arith.remsi %select_n3A_167, %rem3A_194 : i32
    %mul3A_196 = arith.constant 128 : i32
    %mul3A_197 = arith.muli %rem3A_169, %mul3A_196 : i32
    %dma_start3A_198 = arith.constant 2 : i32
    %dma_start3A_199 = arith.constant 2 : i32
    %dma_start3A_200 = arith.constant 0 : i32
    %dma_start3A_201 = arith.constant 0 : i32
    %dma_start3A_202 = tpu.memref_slice %arg5[%dma_start3A_198, %dma_start3A_200, %dma_start3A_201] : memref<5x196x128xf32, #tpu.memory_space<vmem>> -> memref<1x196x128xf32, #tpu.memory_space<vmem>>
    %dma_start3A_203 = tpu.memref_squeeze %dma_start3A_202 : memref<1x196x128xf32, #tpu.memory_space<vmem>> -> memref<196x128xf32, #tpu.memory_space<vmem>>
    %dma_start3A_204 = arith.constant 0 : i32
    %dma_start3A_205 = tpu.memref_slice %arg2[%select_n3A_193, %rem3A_195, %dma_start3A_204, %mul3A_197] : memref<8x32x196x768xf32, #tpu.memory_space<hbm>> -> memref<1x1x196x128xf32, #tpu.memory_space<hbm>>
    %dma_start3A_206 = tpu.memref_squeeze %dma_start3A_205 : memref<1x1x196x128xf32, #tpu.memory_space<hbm>> -> memref<196x128xf32, #tpu.memory_space<hbm>>
    %dma_start3A_207 = tpu.memref_slice %arg7[%dma_start3A_199] : memref<5x!tpu.dma_semaphore, #tpu.memory_space<semaphore_mem>> -> memref<1x!tpu.dma_semaphore, #tpu.memory_space<semaphore_mem>>
    %dma_start3A_208 = tpu.memref_squeeze %dma_start3A_207 : memref<1x!tpu.dma_semaphore, #tpu.memory_space<semaphore_mem>> -> memref<!tpu.dma_semaphore, #tpu.memory_space<semaphore_mem>>
    %dma_start3A_209 = arith.constant 0 : i32
    %dma_start3A_210 = arith.constant 0 : i32
    %dma_start3A_211 = tpu.memref_slice %arg5[%dma_start3A_198, %dma_start3A_209, %dma_start3A_210] : memref<5x196x128xf32, #tpu.memory_space<vmem>> -> memref<1x196x128xf32, #tpu.memory_space<vmem>>
    %dma_start3A_212 = tpu.memref_squeeze %dma_start3A_211 : memref<1x196x128xf32, #tpu.memory_space<vmem>> -> memref<196x128xf32, #tpu.memory_space<vmem>>
    %dma_start3A_213 = arith.constant 0 : i32
    %dma_start3A_214 = tpu.memref_slice %arg2[%select_n3A_193, %rem3A_195, %dma_start3A_213, %mul3A_197] : memref<8x32x196x768xf32, #tpu.memory_space<hbm>> -> memref<1x1x196x128xf32, #tpu.memory_space<hbm>>
    %dma_start3A_215 = tpu.memref_squeeze %dma_start3A_214 : memref<1x1x196x128xf32, #tpu.memory_space<hbm>> -> memref<196x128xf32, #tpu.memory_space<hbm>>
    tpu.enqueue_dma source(%dma_start3A_215 : memref<196x128xf32, #tpu.memory_space<hbm>>) target(%dma_start3A_212 : memref<196x128xf32, #tpu.memory_space<vmem>>) target_semaphore(%dma_start3A_208 : memref<!tpu.dma_semaphore, #tpu.memory_space<semaphore_mem>>)
    %add3A_216 = arith.constant 3 : i32
    %add3A_217 = arith.addi %mul3A_2, %add3A_216 : i32
    %jit3A_218 = arith.constant 6 : i32
    %div3A_219 = arith.divsi %add3A_217, %jit3A_218 : i32
    %sign3A_220 = arith.constant 0 : i32
    %sign3A_221 = arith.cmpi sgt, %add3A_217, %sign3A_220 : i32
    %sign3A_222 = arith.extui %sign3A_221 : i1 to i32
    %sign3A_223 = arith.constant 0 : i32
    %sign3A_224 = arith.cmpi slt, %add3A_217, %sign3A_223 : i32
    %sign3A_225 = arith.extui %sign3A_224 : i1 to i32
    %sign3A_226 = arith.subi %sign3A_222, %sign3A_225 : i32
    %sign3A_227 = arith.constant 0 : i32
    %sign3A_228 = arith.cmpi sgt, %jit3A_218, %sign3A_227 : i32
    %sign3A_229 = arith.extui %sign3A_228 : i1 to i32
    %sign3A_230 = arith.constant 0 : i32
    %sign3A_231 = arith.cmpi slt, %jit3A_218, %sign3A_230 : i32
    %sign3A_232 = arith.extui %sign3A_231 : i1 to i32
    %sign3A_233 = arith.subi %sign3A_229, %sign3A_232 : i32
    %ne3A_234 = arith.cmpi ne, %sign3A_226, %sign3A_233 : i32
    %rem3A_235 = arith.remsi %add3A_217, %jit3A_218 : i32
    %ne3A_236 = arith.constant 0 : i32
    %ne3A_237 = arith.cmpi ne, %rem3A_235, %ne3A_236 : i32
    %and3A_238 = arith.andi %ne3A_234, %ne3A_237 : i1
    %sub3A_239 = arith.constant 1 : i32
    %sub3A_240 = arith.subi %div3A_219, %sub3A_239 : i32
    %select_n3A_241 = arith.select %and3A_238, %sub3A_240, %div3A_219 : i32
    %rem3A_242 = arith.constant 6 : i32
    %rem3A_243 = arith.remsi %add3A_217, %rem3A_242 : i32
    %jit3A_244 = arith.constant 32 : i32
    %div3A_245 = arith.divsi %select_n3A_241, %jit3A_244 : i32
    %sign3A_246 = arith.constant 0 : i32
    %sign3A_247 = arith.cmpi sgt, %select_n3A_241, %sign3A_246 : i32
    %sign3A_248 = arith.extui %sign3A_247 : i1 to i32
    %sign3A_249 = arith.constant 0 : i32
    %sign3A_250 = arith.cmpi slt, %select_n3A_241, %sign3A_249 : i32
    %sign3A_251 = arith.extui %sign3A_250 : i1 to i32
    %sign3A_252 = arith.subi %sign3A_248, %sign3A_251 : i32
    %sign3A_253 = arith.constant 0 : i32
    %sign3A_254 = arith.cmpi sgt, %jit3A_244, %sign3A_253 : i32
    %sign3A_255 = arith.extui %sign3A_254 : i1 to i32
    %sign3A_256 = arith.constant 0 : i32
    %sign3A_257 = arith.cmpi slt, %jit3A_244, %sign3A_256 : i32
    %sign3A_258 = arith.extui %sign3A_257 : i1 to i32
    %sign3A_259 = arith.subi %sign3A_255, %sign3A_258 : i32
    %ne3A_260 = arith.cmpi ne, %sign3A_252, %sign3A_259 : i32
    %rem3A_261 = arith.remsi %select_n3A_241, %jit3A_244 : i32
    %ne3A_262 = arith.constant 0 : i32
    %ne3A_263 = arith.cmpi ne, %rem3A_261, %ne3A_262 : i32
    %and3A_264 = arith.andi %ne3A_260, %ne3A_263 : i1
    %sub3A_265 = arith.constant 1 : i32
    %sub3A_266 = arith.subi %div3A_245, %sub3A_265 : i32
    %select_n3A_267 = arith.select %and3A_264, %sub3A_266, %div3A_245 : i32
    %rem3A_268 = arith.constant 32 : i32
    %rem3A_269 = arith.remsi %select_n3A_241, %rem3A_268 : i32
    %mul3A_270 = arith.constant 128 : i32
    %mul3A_271 = arith.muli %rem3A_243, %mul3A_270 : i32
    %dma_start3A_272 = arith.constant 3 : i32
    %dma_start3A_273 = arith.constant 3 : i32
    %dma_start3A_274 = arith.constant 0 : i32
    %dma_start3A_275 = arith.constant 0 : i32
    %dma_start3A_276 = tpu.memref_slice %arg5[%dma_start3A_272, %dma_start3A_274, %dma_start3A_275] : memref<5x196x128xf32, #tpu.memory_space<vmem>> -> memref<1x196x128xf32, #tpu.memory_space<vmem>>
    %dma_start3A_277 = tpu.memref_squeeze %dma_start3A_276 : memref<1x196x128xf32, #tpu.memory_space<vmem>> -> memref<196x128xf32, #tpu.memory_space<vmem>>
    %dma_start3A_278 = arith.constant 0 : i32
    %dma_start3A_279 = tpu.memref_slice %arg2[%select_n3A_267, %rem3A_269, %dma_start3A_278, %mul3A_271] : memref<8x32x196x768xf32, #tpu.memory_space<hbm>> -> memref<1x1x196x128xf32, #tpu.memory_space<hbm>>
    %dma_start3A_280 = tpu.memref_squeeze %dma_start3A_279 : memref<1x1x196x128xf32, #tpu.memory_space<hbm>> -> memref<196x128xf32, #tpu.memory_space<hbm>>
    %dma_start3A_281 = tpu.memref_slice %arg7[%dma_start3A_273] : memref<5x!tpu.dma_semaphore, #tpu.memory_space<semaphore_mem>> -> memref<1x!tpu.dma_semaphore, #tpu.memory_space<semaphore_mem>>
    %dma_start3A_282 = tpu.memref_squeeze %dma_start3A_281 : memref<1x!tpu.dma_semaphore, #tpu.memory_space<semaphore_mem>> -> memref<!tpu.dma_semaphore, #tpu.memory_space<semaphore_mem>>
    %dma_start3A_283 = arith.constant 0 : i32
    %dma_start3A_284 = arith.constant 0 : i32
    %dma_start3A_285 = tpu.memref_slice %arg5[%dma_start3A_272, %dma_start3A_283, %dma_start3A_284] : memref<5x196x128xf32, #tpu.memory_space<vmem>> -> memref<1x196x128xf32, #tpu.memory_space<vmem>>
    %dma_start3A_286 = tpu.memref_squeeze %dma_start3A_285 : memref<1x196x128xf32, #tpu.memory_space<vmem>> -> memref<196x128xf32, #tpu.memory_space<vmem>>
    %dma_start3A_287 = arith.constant 0 : i32
    %dma_start3A_288 = tpu.memref_slice %arg2[%select_n3A_267, %rem3A_269, %dma_start3A_287, %mul3A_271] : memref<8x32x196x768xf32, #tpu.memory_space<hbm>> -> memref<1x1x196x128xf32, #tpu.memory_space<hbm>>
    %dma_start3A_289 = tpu.memref_squeeze %dma_start3A_288 : memref<1x1x196x128xf32, #tpu.memory_space<hbm>> -> memref<196x128xf32, #tpu.memory_space<hbm>>
    tpu.enqueue_dma source(%dma_start3A_289 : memref<196x128xf32, #tpu.memory_space<hbm>>) target(%dma_start3A_286 : memref<196x128xf32, #tpu.memory_space<vmem>>) target_semaphore(%dma_start3A_282 : memref<!tpu.dma_semaphore, #tpu.memory_space<semaphore_mem>>)
    %scan3A = arith.constant 0 : i32
    %scan3A_290 = arith.constant 0 : i32
    %scan3A_291 = arith.constant 48 : i32
    %scan3A_292 = arith.addi %scan3A_290, %scan3A_291 : i32
    %scan3A_293 = arith.constant 1 : i32
    scf.for %scan3A_669 = %scan3A_290 to %scan3A_292 step %scan3A_293  : i32 {
      %rem3A_670 = arith.constant 5 : i32
      %rem3A_671 = arith.remsi %scan3A_669, %rem3A_670 : i32
      %add3A_672 = arith.addi %mul3A_2, %scan3A_669 : i32
      %jit3A_673 = arith.constant 6 : i32
      %div3A_674 = arith.divsi %add3A_672, %jit3A_673 : i32
      %sign3A_675 = arith.constant 0 : i32
      %sign3A_676 = arith.cmpi sgt, %add3A_672, %sign3A_675 : i32
      %sign3A_677 = arith.extui %sign3A_676 : i1 to i32
      %sign3A_678 = arith.constant 0 : i32
      %sign3A_679 = arith.cmpi slt, %add3A_672, %sign3A_678 : i32
      %sign3A_680 = arith.extui %sign3A_679 : i1 to i32
      %sign3A_681 = arith.subi %sign3A_677, %sign3A_680 : i32
      %sign3A_682 = arith.constant 0 : i32
      %sign3A_683 = arith.cmpi sgt, %jit3A_673, %sign3A_682 : i32
      %sign3A_684 = arith.extui %sign3A_683 : i1 to i32
      %sign3A_685 = arith.constant 0 : i32
      %sign3A_686 = arith.cmpi slt, %jit3A_673, %sign3A_685 : i32
      %sign3A_687 = arith.extui %sign3A_686 : i1 to i32
      %sign3A_688 = arith.subi %sign3A_684, %sign3A_687 : i32
      %ne3A_689 = arith.cmpi ne, %sign3A_681, %sign3A_688 : i32
      %rem3A_690 = arith.remsi %add3A_672, %jit3A_673 : i32
      %ne3A_691 = arith.constant 0 : i32
      %ne3A_692 = arith.cmpi ne, %rem3A_690, %ne3A_691 : i32
      %and3A_693 = arith.andi %ne3A_689, %ne3A_692 : i1
      %sub3A_694 = arith.constant 1 : i32
      %sub3A_695 = arith.subi %div3A_674, %sub3A_694 : i32
      %select_n3A_696 = arith.select %and3A_693, %sub3A_695, %div3A_674 : i32
      %rem3A_697 = arith.constant 6 : i32
      %rem3A_698 = arith.remsi %add3A_672, %rem3A_697 : i32
      %jit3A_699 = arith.constant 32 : i32
      %div3A_700 = arith.divsi %select_n3A_696, %jit3A_699 : i32
      %sign3A_701 = arith.constant 0 : i32
      %sign3A_702 = arith.cmpi sgt, %select_n3A_696, %sign3A_701 : i32
      %sign3A_703 = arith.extui %sign3A_702 : i1 to i32
      %sign3A_704 = arith.constant 0 : i32
      %sign3A_705 = arith.cmpi slt, %select_n3A_696, %sign3A_704 : i32
      %sign3A_706 = arith.extui %sign3A_705 : i1 to i32
      %sign3A_707 = arith.subi %sign3A_703, %sign3A_706 : i32
      %sign3A_708 = arith.constant 0 : i32
      %sign3A_709 = arith.cmpi sgt, %jit3A_699, %sign3A_708 : i32
      %sign3A_710 = arith.extui %sign3A_709 : i1 to i32
      %sign3A_711 = arith.constant 0 : i32
      %sign3A_712 = arith.cmpi slt, %jit3A_699, %sign3A_711 : i32
      %sign3A_713 = arith.extui %sign3A_712 : i1 to i32
      %sign3A_714 = arith.subi %sign3A_710, %sign3A_713 : i32
      %ne3A_715 = arith.cmpi ne, %sign3A_707, %sign3A_714 : i32
      %rem3A_716 = arith.remsi %select_n3A_696, %jit3A_699 : i32
      %ne3A_717 = arith.constant 0 : i32
      %ne3A_718 = arith.cmpi ne, %rem3A_716, %ne3A_717 : i32
      %and3A_719 = arith.andi %ne3A_715, %ne3A_718 : i1
      %sub3A_720 = arith.constant 1 : i32
      %sub3A_721 = arith.subi %div3A_700, %sub3A_720 : i32
      %select_n3A_722 = arith.select %and3A_719, %sub3A_721, %div3A_700 : i32
      %rem3A_723 = arith.constant 32 : i32
      %rem3A_724 = arith.remsi %select_n3A_696, %rem3A_723 : i32
      %eq3A = arith.constant 0 : i32
      %eq3A_725 = arith.cmpi eq, %rem3A_698, %eq3A : i32
      %convert_element_type3A = arith.extui %eq3A_725 : i1 to i32
      %cond3A = arith.constant 0 : i32
      %cond3A_726 = arith.cmpi ne, %convert_element_type3A, %cond3A : i32
      scf.if %cond3A_726 {
        "tpu.region"() ({
          %run_scoped3A = tpu.sem_alloc : memref<!tpu.dma_semaphore, #tpu.memory_space<semaphore_mem>>
          %dma_start3A_996 = arith.constant 0 : i32
          %dma_start3A_997 = arith.constant 0 : i32
          %dma_start3A_998 = tpu.memref_slice %arg3[%rem3A_724, %dma_start3A_996, %dma_start3A_997] : memref<32x1x768xf32, #tpu.memory_space<hbm>> -> memref<1x1x768xf32, #tpu.memory_space<hbm>>
          %dma_start3A_999 = tpu.memref_squeeze %dma_start3A_998 : memref<1x1x768xf32, #tpu.memory_space<hbm>> -> memref<1x768xf32, #tpu.memory_space<hbm>>
          %dma_start3A_1000 = arith.constant 0 : i32
          %dma_start3A_1001 = arith.constant 0 : i32
          %dma_start3A_1002 = tpu.memref_slice %arg3[%rem3A_724, %dma_start3A_1000, %dma_start3A_1001] : memref<32x1x768xf32, #tpu.memory_space<hbm>> -> memref<1x1x768xf32, #tpu.memory_space<hbm>>
          %dma_start3A_1003 = tpu.memref_squeeze %dma_start3A_1002 : memref<1x1x768xf32, #tpu.memory_space<hbm>> -> memref<1x768xf32, #tpu.memory_space<hbm>>
          tpu.enqueue_dma source(%dma_start3A_1003 : memref<1x768xf32, #tpu.memory_space<hbm>>) target(%arg6 : memref<1x768xf32, #tpu.memory_space<vmem>>) target_semaphore(%run_scoped3A : memref<!tpu.dma_semaphore, #tpu.memory_space<semaphore_mem>>)
          %dma_wait3A_1004 = arith.constant 0 : i32
          %dma_wait3A_1005 = arith.constant 0 : i32
          %dma_wait3A_1006 = tpu.memref_slice %arg3[%rem3A_724, %dma_wait3A_1004, %dma_wait3A_1005] : memref<32x1x768xf32, #tpu.memory_space<hbm>> -> memref<1x1x768xf32, #tpu.memory_space<hbm>>
          %dma_wait3A_1007 = tpu.memref_squeeze %dma_wait3A_1006 : memref<1x1x768xf32, #tpu.memory_space<hbm>> -> memref<1x768xf32, #tpu.memory_space<hbm>>
          %dma_wait3A_1008 = arith.constant 0 : i32
          %dma_wait3A_1009 = arith.constant 0 : i32
          %dma_wait3A_1010 = tpu.memref_slice %arg3[%rem3A_724, %dma_wait3A_1008, %dma_wait3A_1009] : memref<32x1x768xf32, #tpu.memory_space<hbm>> -> memref<1x1x768xf32, #tpu.memory_space<hbm>>
          %dma_wait3A_1011 = tpu.memref_squeeze %dma_wait3A_1010 : memref<1x1x768xf32, #tpu.memory_space<hbm>> -> memref<1x768xf32, #tpu.memory_space<hbm>>
          tpu.wait_dma2 semaphore(%run_scoped3A : memref<!tpu.dma_semaphore, #tpu.memory_space<semaphore_mem>>) src(%dma_wait3A_1011 : memref<1x768xf32, #tpu.memory_space<hbm>>) dst(%arg6 : memref<1x768xf32, #tpu.memory_space<vmem>>)
          tpu.yield
        }) : () -> ()
      } else {
      }
      %add3A_727 = arith.addi %mul3A_2, %scan3A_669 : i32
      %jit3A_728 = arith.constant 6 : i32
      %div3A_729 = arith.divsi %add3A_727, %jit3A_728 : i32
      %sign3A_730 = arith.constant 0 : i32
      %sign3A_731 = arith.cmpi sgt, %add3A_727, %sign3A_730 : i32
      %sign3A_732 = arith.extui %sign3A_731 : i1 to i32
      %sign3A_733 = arith.constant 0 : i32
      %sign3A_734 = arith.cmpi slt, %add3A_727, %sign3A_733 : i32
      %sign3A_735 = arith.extui %sign3A_734 : i1 to i32
      %sign3A_736 = arith.subi %sign3A_732, %sign3A_735 : i32
      %sign3A_737 = arith.constant 0 : i32
      %sign3A_738 = arith.cmpi sgt, %jit3A_728, %sign3A_737 : i32
      %sign3A_739 = arith.extui %sign3A_738 : i1 to i32
      %sign3A_740 = arith.constant 0 : i32
      %sign3A_741 = arith.cmpi slt, %jit3A_728, %sign3A_740 : i32
      %sign3A_742 = arith.extui %sign3A_741 : i1 to i32
      %sign3A_743 = arith.subi %sign3A_739, %sign3A_742 : i32
      %ne3A_744 = arith.cmpi ne, %sign3A_736, %sign3A_743 : i32
      %rem3A_745 = arith.remsi %add3A_727, %jit3A_728 : i32
      %ne3A_746 = arith.constant 0 : i32
      %ne3A_747 = arith.cmpi ne, %rem3A_745, %ne3A_746 : i32
      %and3A_748 = arith.andi %ne3A_744, %ne3A_747 : i1
      %sub3A_749 = arith.constant 1 : i32
      %sub3A_750 = arith.subi %div3A_729, %sub3A_749 : i32
      %select_n3A_751 = arith.select %and3A_748, %sub3A_750, %div3A_729 : i32
      %rem3A_752 = arith.constant 6 : i32
      %rem3A_753 = arith.remsi %add3A_727, %rem3A_752 : i32
      %jit3A_754 = arith.constant 32 : i32
      %div3A_755 = arith.divsi %select_n3A_751, %jit3A_754 : i32
      %sign3A_756 = arith.constant 0 : i32
      %sign3A_757 = arith.cmpi sgt, %select_n3A_751, %sign3A_756 : i32
      %sign3A_758 = arith.extui %sign3A_757 : i1 to i32
      %sign3A_759 = arith.constant 0 : i32
      %sign3A_760 = arith.cmpi slt, %select_n3A_751, %sign3A_759 : i32
      %sign3A_761 = arith.extui %sign3A_760 : i1 to i32
      %sign3A_762 = arith.subi %sign3A_758, %sign3A_761 : i32
      %sign3A_763 = arith.constant 0 : i32
      %sign3A_764 = arith.cmpi sgt, %jit3A_754, %sign3A_763 : i32
      %sign3A_765 = arith.extui %sign3A_764 : i1 to i32
      %sign3A_766 = arith.constant 0 : i32
      %sign3A_767 = arith.cmpi slt, %jit3A_754, %sign3A_766 : i32
      %sign3A_768 = arith.extui %sign3A_767 : i1 to i32
      %sign3A_769 = arith.subi %sign3A_765, %sign3A_768 : i32
      %ne3A_770 = arith.cmpi ne, %sign3A_762, %sign3A_769 : i32
      %rem3A_771 = arith.remsi %select_n3A_751, %jit3A_754 : i32
      %ne3A_772 = arith.constant 0 : i32
      %ne3A_773 = arith.cmpi ne, %rem3A_771, %ne3A_772 : i32
      %and3A_774 = arith.andi %ne3A_770, %ne3A_773 : i1
      %sub3A_775 = arith.constant 1 : i32
      %sub3A_776 = arith.subi %div3A_755, %sub3A_775 : i32
      %select_n3A_777 = arith.select %and3A_774, %sub3A_776, %div3A_755 : i32
      %rem3A_778 = arith.constant 32 : i32
      %rem3A_779 = arith.remsi %select_n3A_751, %rem3A_778 : i32
      %mul3A_780 = arith.constant 128 : i32
      %mul3A_781 = arith.muli %rem3A_753, %mul3A_780 : i32
      %dma_wait3A_782 = arith.constant 0 : i32
      %dma_wait3A_783 = arith.constant 0 : i32
      %dma_wait3A_784 = tpu.memref_slice %arg5[%rem3A_671, %dma_wait3A_782, %dma_wait3A_783] : memref<5x196x128xf32, #tpu.memory_space<vmem>> -> memref<1x196x128xf32, #tpu.memory_space<vmem>>
      %dma_wait3A_785 = tpu.memref_squeeze %dma_wait3A_784 : memref<1x196x128xf32, #tpu.memory_space<vmem>> -> memref<196x128xf32, #tpu.memory_space<vmem>>
      %dma_wait3A_786 = arith.constant 0 : i32
      %dma_wait3A_787 = tpu.memref_slice %arg2[%select_n3A_777, %rem3A_779, %dma_wait3A_786, %mul3A_781] : memref<8x32x196x768xf32, #tpu.memory_space<hbm>> -> memref<1x1x196x128xf32, #tpu.memory_space<hbm>>
      %dma_wait3A_788 = tpu.memref_squeeze %dma_wait3A_787 : memref<1x1x196x128xf32, #tpu.memory_space<hbm>> -> memref<196x128xf32, #tpu.memory_space<hbm>>
      %dma_wait3A_789 = tpu.memref_slice %arg7[%rem3A_671] : memref<5x!tpu.dma_semaphore, #tpu.memory_space<semaphore_mem>> -> memref<1x!tpu.dma_semaphore, #tpu.memory_space<semaphore_mem>>
      %dma_wait3A_790 = tpu.memref_squeeze %dma_wait3A_789 : memref<1x!tpu.dma_semaphore, #tpu.memory_space<semaphore_mem>> -> memref<!tpu.dma_semaphore, #tpu.memory_space<semaphore_mem>>
      %dma_wait3A_791 = arith.constant 0 : i32
      %dma_wait3A_792 = arith.constant 0 : i32
      %dma_wait3A_793 = tpu.memref_slice %arg5[%rem3A_671, %dma_wait3A_791, %dma_wait3A_792] : memref<5x196x128xf32, #tpu.memory_space<vmem>> -> memref<1x196x128xf32, #tpu.memory_space<vmem>>
      %dma_wait3A_794 = tpu.memref_squeeze %dma_wait3A_793 : memref<1x196x128xf32, #tpu.memory_space<vmem>> -> memref<196x128xf32, #tpu.memory_space<vmem>>
      %dma_wait3A_795 = arith.constant 0 : i32
      %dma_wait3A_796 = tpu.memref_slice %arg2[%select_n3A_777, %rem3A_779, %dma_wait3A_795, %mul3A_781] : memref<8x32x196x768xf32, #tpu.memory_space<hbm>> -> memref<1x1x196x128xf32, #tpu.memory_space<hbm>>
      %dma_wait3A_797 = tpu.memref_squeeze %dma_wait3A_796 : memref<1x1x196x128xf32, #tpu.memory_space<hbm>> -> memref<196x128xf32, #tpu.memory_space<hbm>>
      tpu.wait_dma2 semaphore(%dma_wait3A_790 : memref<!tpu.dma_semaphore, #tpu.memory_space<semaphore_mem>>) src(%dma_wait3A_797 : memref<196x128xf32, #tpu.memory_space<hbm>>) dst(%dma_wait3A_794 : memref<196x128xf32, #tpu.memory_space<vmem>>)
      %mul3A_798 = arith.constant 128 : i32
      %mul3A_799 = arith.muli %rem3A_698, %mul3A_798 : i32
      %add3A_800 = arith.constant 0 : i32
      %add3A_801 = arith.addi %mul3A_799, %add3A_800 : i32
      %get3A = arith.constant 0 : i32
      %get3A_802 = arith.index_cast %get3A : i32 to index
      %get3A_803 = arith.index_cast %add3A_801 : i32 to index
      %get3A_804 = tpu.vector_load %arg6[%get3A_802, %get3A_803] {strides = array<i32>} : memref<1x768xf32, #tpu.memory_space<vmem>>, vector<1x16xf32>,
      %get3A_805 = vector.shape_cast %get3A_804 : vector<1x16xf32> to vector<16xf32>
      %scan3A_806 = arith.constant 0 : i32
      %scan3A_807 = arith.constant 0 : i32
      %scan3A_808 = arith.constant 196 : i32
      %scan3A_809 = arith.addi %scan3A_807, %scan3A_808 : i32
      %scan3A_810 = arith.constant 7 : i32
      scf.for %scan3A_996 = %scan3A_807 to %scan3A_809 step %scan3A_810  : i32 {
        %swap3A = arith.index_cast %rem3A_671 : i32 to index
        %swap3A_997 = arith.index_cast %scan3A_996 : i32 to index
        %swap3A_998 = arith.constant 0 : index
        %swap3A_999 = tpu.vector_load %arg5[%swap3A, %swap3A_997, %swap3A_998] {strides = array<i32>} : memref<5x196x128xf32, #tpu.memory_space<vmem>>, vector<1x1x16xf32>,
        %swap3A_1000 = vector.shape_cast %swap3A_999 : vector<1x1x16xf32> to vector<16xf32>
        %swap3A_1001 = vector.shape_cast %get3A_805 : vector<16xf32> to vector<1x1x16xf32>
        tpu.vector_store %arg5[%swap3A, %swap3A_997, %swap3A_998], %swap3A_1001 {add = true, strides = array<i32>} : memref<5x196x128xf32, #tpu.memory_space<vmem>>, vector<1x1x16xf32>,
        %scan3A_1002 = arith.constant 1 : i32
        %scan3A_1003 = arith.addi %scan3A_996, %scan3A_1002 : i32
        %swap3A_1004 = arith.index_cast %rem3A_671 : i32 to index
        %swap3A_1005 = arith.index_cast %scan3A_1003 : i32 to index
        %swap3A_1006 = arith.constant 0 : index
        %swap3A_1007 = tpu.vector_load %arg5[%swap3A_1004, %swap3A_1005, %swap3A_1006] {strides = array<i32>} : memref<5x196x128xf32, #tpu.memory_space<vmem>>, vector<1x1x16xf32>,
        %swap3A_1008 = vector.shape_cast %swap3A_1007 : vector<1x1x16xf32> to vector<16xf32>
        %swap3A_1009 = vector.shape_cast %get3A_805 : vector<16xf32> to vector<1x1x16xf32>
        tpu.vector_store %arg5[%swap3A_1004, %swap3A_1005, %swap3A_1006], %swap3A_1009 {add = true, strides = array<i32>} : memref<5x196x128xf32, #tpu.memory_space<vmem>>, vector<1x1x16xf32>,
        %scan3A_1010 = arith.constant 2 : i32
        %scan3A_1011 = arith.addi %scan3A_996, %scan3A_1010 : i32
        %swap3A_1012 = arith.index_cast %rem3A_671 : i32 to index
        %swap3A_1013 = arith.index_cast %scan3A_1011 : i32 to index
        %swap3A_1014 = arith.constant 0 : index
        %swap3A_1015 = tpu.vector_load %arg5[%swap3A_1012, %swap3A_1013, %swap3A_1014] {strides = array<i32>} : memref<5x196x128xf32, #tpu.memory_space<vmem>>, vector<1x1x16xf32>,
        %swap3A_1016 = vector.shape_cast %swap3A_1015 : vector<1x1x16xf32> to vector<16xf32>
        %swap3A_1017 = vector.shape_cast %get3A_805 : vector<16xf32> to vector<1x1x16xf32>
        tpu.vector_store %arg5[%swap3A_1012, %swap3A_1013, %swap3A_1014], %swap3A_1017 {add = true, strides = array<i32>} : memref<5x196x128xf32, #tpu.memory_space<vmem>>, vector<1x1x16xf32>,
        %scan3A_1018 = arith.constant 3 : i32
        %scan3A_1019 = arith.addi %scan3A_996, %scan3A_1018 : i32
        %swap3A_1020 = arith.index_cast %rem3A_671 : i32 to index
        %swap3A_1021 = arith.index_cast %scan3A_1019 : i32 to index
        %swap3A_1022 = arith.constant 0 : index
        %swap3A_1023 = tpu.vector_load %arg5[%swap3A_1020, %swap3A_1021, %swap3A_1022] {strides = array<i32>} : memref<5x196x128xf32, #tpu.memory_space<vmem>>, vector<1x1x16xf32>,
        %swap3A_1024 = vector.shape_cast %swap3A_1023 : vector<1x1x16xf32> to vector<16xf32>
        %swap3A_1025 = vector.shape_cast %get3A_805 : vector<16xf32> to vector<1x1x16xf32>
        tpu.vector_store %arg5[%swap3A_1020, %swap3A_1021, %swap3A_1022], %swap3A_1025 {add = true, strides = array<i32>} : memref<5x196x128xf32, #tpu.memory_space<vmem>>, vector<1x1x16xf32>,
        %scan3A_1026 = arith.constant 4 : i32
        %scan3A_1027 = arith.addi %scan3A_996, %scan3A_1026 : i32
        %swap3A_1028 = arith.index_cast %rem3A_671 : i32 to index
        %swap3A_1029 = arith.index_cast %scan3A_1027 : i32 to index
        %swap3A_1030 = arith.constant 0 : index
        %swap3A_1031 = tpu.vector_load %arg5[%swap3A_1028, %swap3A_1029, %swap3A_1030] {strides = array<i32>} : memref<5x196x128xf32, #tpu.memory_space<vmem>>, vector<1x1x16xf32>,
        %swap3A_1032 = vector.shape_cast %swap3A_1031 : vector<1x1x16xf32> to vector<16xf32>
        %swap3A_1033 = vector.shape_cast %get3A_805 : vector<16xf32> to vector<1x1x16xf32>
        tpu.vector_store %arg5[%swap3A_1028, %swap3A_1029, %swap3A_1030], %swap3A_1033 {add = true, strides = array<i32>} : memref<5x196x128xf32, #tpu.memory_space<vmem>>, vector<1x1x16xf32>,
        %scan3A_1034 = arith.constant 5 : i32
        %scan3A_1035 = arith.addi %scan3A_996, %scan3A_1034 : i32
        %swap3A_1036 = arith.index_cast %rem3A_671 : i32 to index
        %swap3A_1037 = arith.index_cast %scan3A_1035 : i32 to index
        %swap3A_1038 = arith.constant 0 : index
        %swap3A_1039 = tpu.vector_load %arg5[%swap3A_1036, %swap3A_1037, %swap3A_1038] {strides = array<i32>} : memref<5x196x128xf32, #tpu.memory_space<vmem>>, vector<1x1x16xf32>,
        %swap3A_1040 = vector.shape_cast %swap3A_1039 : vector<1x1x16xf32> to vector<16xf32>
        %swap3A_1041 = vector.shape_cast %get3A_805 : vector<16xf32> to vector<1x1x16xf32>
        tpu.vector_store %arg5[%swap3A_1036, %swap3A_1037, %swap3A_1038], %swap3A_1041 {add = true, strides = array<i32>} : memref<5x196x128xf32, #tpu.memory_space<vmem>>, vector<1x1x16xf32>,
        %scan3A_1042 = arith.constant 6 : i32
        %scan3A_1043 = arith.addi %scan3A_996, %scan3A_1042 : i32
        %swap3A_1044 = arith.index_cast %rem3A_671 : i32 to index
        %swap3A_1045 = arith.index_cast %scan3A_1043 : i32 to index
        %swap3A_1046 = arith.constant 0 : index
        %swap3A_1047 = tpu.vector_load %arg5[%swap3A_1044, %swap3A_1045, %swap3A_1046] {strides = array<i32>} : memref<5x196x128xf32, #tpu.memory_space<vmem>>, vector<1x1x16xf32>,
        %swap3A_1048 = vector.shape_cast %swap3A_1047 : vector<1x1x16xf32> to vector<16xf32>
        %swap3A_1049 = vector.shape_cast %get3A_805 : vector<16xf32> to vector<1x1x16xf32>
        tpu.vector_store %arg5[%swap3A_1044, %swap3A_1045, %swap3A_1046], %swap3A_1049 {add = true, strides = array<i32>} : memref<5x196x128xf32, #tpu.memory_space<vmem>>, vector<1x1x16xf32>,
      }
      %scan3A_811 = arith.constant 196 : i32
      %mul3A_812 = arith.constant 128 : i32
      %mul3A_813 = arith.muli %rem3A_698, %mul3A_812 : i32
      %add3A_814 = arith.constant 16 : i32
      %add3A_815 = arith.addi %mul3A_813, %add3A_814 : i32
      %get3A_816 = arith.constant 0 : i32
      %get3A_817 = arith.index_cast %get3A_816 : i32 to index
      %get3A_818 = arith.index_cast %add3A_815 : i32 to index
      %get3A_819 = tpu.vector_load %arg6[%get3A_817, %get3A_818] {strides = array<i32>} : memref<1x768xf32, #tpu.memory_space<vmem>>, vector<1x16xf32>,
      %get3A_820 = vector.shape_cast %get3A_819 : vector<1x16xf32> to vector<16xf32>
      %scan3A_821 = arith.constant 0 : i32
      %scan3A_822 = arith.constant 0 : i32
      %scan3A_823 = arith.constant 196 : i32
      %scan3A_824 = arith.addi %scan3A_822, %scan3A_823 : i32
      %scan3A_825 = arith.constant 7 : i32
      scf.for %scan3A_996 = %scan3A_822 to %scan3A_824 step %scan3A_825  : i32 {
        %swap3A = arith.index_cast %rem3A_671 : i32 to index
        %swap3A_997 = arith.index_cast %scan3A_996 : i32 to index
        %swap3A_998 = arith.constant 16 : index
        %swap3A_999 = tpu.vector_load %arg5[%swap3A, %swap3A_997, %swap3A_998] {strides = array<i32>} : memref<5x196x128xf32, #tpu.memory_space<vmem>>, vector<1x1x16xf32>,
        %swap3A_1000 = vector.shape_cast %swap3A_999 : vector<1x1x16xf32> to vector<16xf32>
        %swap3A_1001 = vector.shape_cast %get3A_820 : vector<16xf32> to vector<1x1x16xf32>
        tpu.vector_store %arg5[%swap3A, %swap3A_997, %swap3A_998], %swap3A_1001 {add = true, strides = array<i32>} : memref<5x196x128xf32, #tpu.memory_space<vmem>>, vector<1x1x16xf32>,
        %scan3A_1002 = arith.constant 1 : i32
        %scan3A_1003 = arith.addi %scan3A_996, %scan3A_1002 : i32
        %swap3A_1004 = arith.index_cast %rem3A_671 : i32 to index
        %swap3A_1005 = arith.index_cast %scan3A_1003 : i32 to index
        %swap3A_1006 = arith.constant 16 : index
        %swap3A_1007 = tpu.vector_load %arg5[%swap3A_1004, %swap3A_1005, %swap3A_1006] {strides = array<i32>} : memref<5x196x128xf32, #tpu.memory_space<vmem>>, vector<1x1x16xf32>,
        %swap3A_1008 = vector.shape_cast %swap3A_1007 : vector<1x1x16xf32> to vector<16xf32>
        %swap3A_1009 = vector.shape_cast %get3A_820 : vector<16xf32> to vector<1x1x16xf32>
        tpu.vector_store %arg5[%swap3A_1004, %swap3A_1005, %swap3A_1006], %swap3A_1009 {add = true, strides = array<i32>} : memref<5x196x128xf32, #tpu.memory_space<vmem>>, vector<1x1x16xf32>,
        %scan3A_1010 = arith.constant 2 : i32
        %scan3A_1011 = arith.addi %scan3A_996, %scan3A_1010 : i32
        %swap3A_1012 = arith.index_cast %rem3A_671 : i32 to index
        %swap3A_1013 = arith.index_cast %scan3A_1011 : i32 to index
        %swap3A_1014 = arith.constant 16 : index
        %swap3A_1015 = tpu.vector_load %arg5[%swap3A_1012, %swap3A_1013, %swap3A_1014] {strides = array<i32>} : memref<5x196x128xf32, #tpu.memory_space<vmem>>, vector<1x1x16xf32>,
        %swap3A_1016 = vector.shape_cast %swap3A_1015 : vector<1x1x16xf32> to vector<16xf32>
        %swap3A_1017 = vector.shape_cast %get3A_820 : vector<16xf32> to vector<1x1x16xf32>
        tpu.vector_store %arg5[%swap3A_1012, %swap3A_1013, %swap3A_1014], %swap3A_1017 {add = true, strides = array<i32>} : memref<5x196x128xf32, #tpu.memory_space<vmem>>, vector<1x1x16xf32>,
        %scan3A_1018 = arith.constant 3 : i32
        %scan3A_1019 = arith.addi %scan3A_996, %scan3A_1018 : i32
        %swap3A_1020 = arith.index_cast %rem3A_671 : i32 to index
        %swap3A_1021 = arith.index_cast %scan3A_1019 : i32 to index
        %swap3A_1022 = arith.constant 16 : index
        %swap3A_1023 = tpu.vector_load %arg5[%swap3A_1020, %swap3A_1021, %swap3A_1022] {strides = array<i32>} : memref<5x196x128xf32, #tpu.memory_space<vmem>>, vector<1x1x16xf32>,
        %swap3A_1024 = vector.shape_cast %swap3A_1023 : vector<1x1x16xf32> to vector<16xf32>
        %swap3A_1025 = vector.shape_cast %get3A_820 : vector<16xf32> to vector<1x1x16xf32>
        tpu.vector_store %arg5[%swap3A_1020, %swap3A_1021, %swap3A_1022], %swap3A_1025 {add = true, strides = array<i32>} : memref<5x196x128xf32, #tpu.memory_space<vmem>>, vector<1x1x16xf32>,
        %scan3A_1026 = arith.constant 4 : i32
        %scan3A_1027 = arith.addi %scan3A_996, %scan3A_1026 : i32
        %swap3A_1028 = arith.index_cast %rem3A_671 : i32 to index
        %swap3A_1029 = arith.index_cast %scan3A_1027 : i32 to index
        %swap3A_1030 = arith.constant 16 : index
        %swap3A_1031 = tpu.vector_load %arg5[%swap3A_1028, %swap3A_1029, %swap3A_1030] {strides = array<i32>} : memref<5x196x128xf32, #tpu.memory_space<vmem>>, vector<1x1x16xf32>,
        %swap3A_1032 = vector.shape_cast %swap3A_1031 : vector<1x1x16xf32> to vector<16xf32>
        %swap3A_1033 = vector.shape_cast %get3A_820 : vector<16xf32> to vector<1x1x16xf32>
        tpu.vector_store %arg5[%swap3A_1028, %swap3A_1029, %swap3A_1030], %swap3A_1033 {add = true, strides = array<i32>} : memref<5x196x128xf32, #tpu.memory_space<vmem>>, vector<1x1x16xf32>,
        %scan3A_1034 = arith.constant 5 : i32
        %scan3A_1035 = arith.addi %scan3A_996, %scan3A_1034 : i32
        %swap3A_1036 = arith.index_cast %rem3A_671 : i32 to index
        %swap3A_1037 = arith.index_cast %scan3A_1035 : i32 to index
        %swap3A_1038 = arith.constant 16 : index
        %swap3A_1039 = tpu.vector_load %arg5[%swap3A_1036, %swap3A_1037, %swap3A_1038] {strides = array<i32>} : memref<5x196x128xf32, #tpu.memory_space<vmem>>, vector<1x1x16xf32>,
        %swap3A_1040 = vector.shape_cast %swap3A_1039 : vector<1x1x16xf32> to vector<16xf32>
        %swap3A_1041 = vector.shape_cast %get3A_820 : vector<16xf32> to vector<1x1x16xf32>
        tpu.vector_store %arg5[%swap3A_1036, %swap3A_1037, %swap3A_1038], %swap3A_1041 {add = true, strides = array<i32>} : memref<5x196x128xf32, #tpu.memory_space<vmem>>, vector<1x1x16xf32>,
        %scan3A_1042 = arith.constant 6 : i32
        %scan3A_1043 = arith.addi %scan3A_996, %scan3A_1042 : i32
        %swap3A_1044 = arith.index_cast %rem3A_671 : i32 to index
        %swap3A_1045 = arith.index_cast %scan3A_1043 : i32 to index
        %swap3A_1046 = arith.constant 16 : index
        %swap3A_1047 = tpu.vector_load %arg5[%swap3A_1044, %swap3A_1045, %swap3A_1046] {strides = array<i32>} : memref<5x196x128xf32, #tpu.memory_space<vmem>>, vector<1x1x16xf32>,
        %swap3A_1048 = vector.shape_cast %swap3A_1047 : vector<1x1x16xf32> to vector<16xf32>
        %swap3A_1049 = vector.shape_cast %get3A_820 : vector<16xf32> to vector<1x1x16xf32>
        tpu.vector_store %arg5[%swap3A_1044, %swap3A_1045, %swap3A_1046], %swap3A_1049 {add = true, strides = array<i32>} : memref<5x196x128xf32, #tpu.memory_space<vmem>>, vector<1x1x16xf32>,
      }
      %scan3A_826 = arith.constant 196 : i32
      %mul3A_827 = arith.constant 128 : i32
      %mul3A_828 = arith.muli %rem3A_698, %mul3A_827 : i32
      %add3A_829 = arith.constant 32 : i32
      %add3A_830 = arith.addi %mul3A_828, %add3A_829 : i32
      %get3A_831 = arith.constant 0 : i32
      %get3A_832 = arith.index_cast %get3A_831 : i32 to index
      %get3A_833 = arith.index_cast %add3A_830 : i32 to index
      %get3A_834 = tpu.vector_load %arg6[%get3A_832, %get3A_833] {strides = array<i32>} : memref<1x768xf32, #tpu.memory_space<vmem>>, vector<1x16xf32>,
      %get3A_835 = vector.shape_cast %get3A_834 : vector<1x16xf32> to vector<16xf32>
      %scan3A_836 = arith.constant 0 : i32
      %scan3A_837 = arith.constant 0 : i32
      %scan3A_838 = arith.constant 196 : i32
      %scan3A_839 = arith.addi %scan3A_837, %scan3A_838 : i32
      %scan3A_840 = arith.constant 7 : i32
      scf.for %scan3A_996 = %scan3A_837 to %scan3A_839 step %scan3A_840  : i32 {
        %swap3A = arith.index_cast %rem3A_671 : i32 to index
        %swap3A_997 = arith.index_cast %scan3A_996 : i32 to index
        %swap3A_998 = arith.constant 32 : index
        %swap3A_999 = tpu.vector_load %arg5[%swap3A, %swap3A_997, %swap3A_998] {strides = array<i32>} : memref<5x196x128xf32, #tpu.memory_space<vmem>>, vector<1x1x16xf32>,
        %swap3A_1000 = vector.shape_cast %swap3A_999 : vector<1x1x16xf32> to vector<16xf32>
        %swap3A_1001 = vector.shape_cast %get3A_835 : vector<16xf32> to vector<1x1x16xf32>
        tpu.vector_store %arg5[%swap3A, %swap3A_997, %swap3A_998], %swap3A_1001 {add = true, strides = array<i32>} : memref<5x196x128xf32, #tpu.memory_space<vmem>>, vector<1x1x16xf32>,
        %scan3A_1002 = arith.constant 1 : i32
        %scan3A_1003 = arith.addi %scan3A_996, %scan3A_1002 : i32
        %swap3A_1004 = arith.index_cast %rem3A_671 : i32 to index
        %swap3A_1005 = arith.index_cast %scan3A_1003 : i32 to index
        %swap3A_1006 = arith.constant 32 : index
        %swap3A_1007 = tpu.vector_load %arg5[%swap3A_1004, %swap3A_1005, %swap3A_1006] {strides = array<i32>} : memref<5x196x128xf32, #tpu.memory_space<vmem>>, vector<1x1x16xf32>,
        %swap3A_1008 = vector.shape_cast %swap3A_1007 : vector<1x1x16xf32> to vector<16xf32>
        %swap3A_1009 = vector.shape_cast %get3A_835 : vector<16xf32> to vector<1x1x16xf32>
        tpu.vector_store %arg5[%swap3A_1004, %swap3A_1005, %swap3A_1006], %swap3A_1009 {add = true, strides = array<i32>} : memref<5x196x128xf32, #tpu.memory_space<vmem>>, vector<1x1x16xf32>,
        %scan3A_1010 = arith.constant 2 : i32
        %scan3A_1011 = arith.addi %scan3A_996, %scan3A_1010 : i32
        %swap3A_1012 = arith.index_cast %rem3A_671 : i32 to index
        %swap3A_1013 = arith.index_cast %scan3A_1011 : i32 to index
        %swap3A_1014 = arith.constant 32 : index
        %swap3A_1015 = tpu.vector_load %arg5[%swap3A_1012, %swap3A_1013, %swap3A_1014] {strides = array<i32>} : memref<5x196x128xf32, #tpu.memory_space<vmem>>, vector<1x1x16xf32>,
        %swap3A_1016 = vector.shape_cast %swap3A_1015 : vector<1x1x16xf32> to vector<16xf32>
        %swap3A_1017 = vector.shape_cast %get3A_835 : vector<16xf32> to vector<1x1x16xf32>
        tpu.vector_store %arg5[%swap3A_1012, %swap3A_1013, %swap3A_1014], %swap3A_1017 {add = true, strides = array<i32>} : memref<5x196x128xf32, #tpu.memory_space<vmem>>, vector<1x1x16xf32>,
        %scan3A_1018 = arith.constant 3 : i32
        %scan3A_1019 = arith.addi %scan3A_996, %scan3A_1018 : i32
        %swap3A_1020 = arith.index_cast %rem3A_671 : i32 to index
        %swap3A_1021 = arith.index_cast %scan3A_1019 : i32 to index
        %swap3A_1022 = arith.constant 32 : index
        %swap3A_1023 = tpu.vector_load %arg5[%swap3A_1020, %swap3A_1021, %swap3A_1022] {strides = array<i32>} : memref<5x196x128xf32, #tpu.memory_space<vmem>>, vector<1x1x16xf32>,
        %swap3A_1024 = vector.shape_cast %swap3A_1023 : vector<1x1x16xf32> to vector<16xf32>
        %swap3A_1025 = vector.shape_cast %get3A_835 : vector<16xf32> to vector<1x1x16xf32>
        tpu.vector_store %arg5[%swap3A_1020, %swap3A_1021, %swap3A_1022], %swap3A_1025 {add = true, strides = array<i32>} : memref<5x196x128xf32, #tpu.memory_space<vmem>>, vector<1x1x16xf32>,
        %scan3A_1026 = arith.constant 4 : i32
        %scan3A_1027 = arith.addi %scan3A_996, %scan3A_1026 : i32
        %swap3A_1028 = arith.index_cast %rem3A_671 : i32 to index
        %swap3A_1029 = arith.index_cast %scan3A_1027 : i32 to index
        %swap3A_1030 = arith.constant 32 : index
        %swap3A_1031 = tpu.vector_load %arg5[%swap3A_1028, %swap3A_1029, %swap3A_1030] {strides = array<i32>} : memref<5x196x128xf32, #tpu.memory_space<vmem>>, vector<1x1x16xf32>,
        %swap3A_1032 = vector.shape_cast %swap3A_1031 : vector<1x1x16xf32> to vector<16xf32>
        %swap3A_1033 = vector.shape_cast %get3A_835 : vector<16xf32> to vector<1x1x16xf32>
        tpu.vector_store %arg5[%swap3A_1028, %swap3A_1029, %swap3A_1030], %swap3A_1033 {add = true, strides = array<i32>} : memref<5x196x128xf32, #tpu.memory_space<vmem>>, vector<1x1x16xf32>,
        %scan3A_1034 = arith.constant 5 : i32
        %scan3A_1035 = arith.addi %scan3A_996, %scan3A_1034 : i32
        %swap3A_1036 = arith.index_cast %rem3A_671 : i32 to index
        %swap3A_1037 = arith.index_cast %scan3A_1035 : i32 to index
        %swap3A_1038 = arith.constant 32 : index
        %swap3A_1039 = tpu.vector_load %arg5[%swap3A_1036, %swap3A_1037, %swap3A_1038] {strides = array<i32>} : memref<5x196x128xf32, #tpu.memory_space<vmem>>, vector<1x1x16xf32>,
        %swap3A_1040 = vector.shape_cast %swap3A_1039 : vector<1x1x16xf32> to vector<16xf32>
        %swap3A_1041 = vector.shape_cast %get3A_835 : vector<16xf32> to vector<1x1x16xf32>
        tpu.vector_store %arg5[%swap3A_1036, %swap3A_1037, %swap3A_1038], %swap3A_1041 {add = true, strides = array<i32>} : memref<5x196x128xf32, #tpu.memory_space<vmem>>, vector<1x1x16xf32>,
        %scan3A_1042 = arith.constant 6 : i32
        %scan3A_1043 = arith.addi %scan3A_996, %scan3A_1042 : i32
        %swap3A_1044 = arith.index_cast %rem3A_671 : i32 to index
        %swap3A_1045 = arith.index_cast %scan3A_1043 : i32 to index
        %swap3A_1046 = arith.constant 32 : index
        %swap3A_1047 = tpu.vector_load %arg5[%swap3A_1044, %swap3A_1045, %swap3A_1046] {strides = array<i32>} : memref<5x196x128xf32, #tpu.memory_space<vmem>>, vector<1x1x16xf32>,
        %swap3A_1048 = vector.shape_cast %swap3A_1047 : vector<1x1x16xf32> to vector<16xf32>
        %swap3A_1049 = vector.shape_cast %get3A_835 : vector<16xf32> to vector<1x1x16xf32>
        tpu.vector_store %arg5[%swap3A_1044, %swap3A_1045, %swap3A_1046], %swap3A_1049 {add = true, strides = array<i32>} : memref<5x196x128xf32, #tpu.memory_space<vmem>>, vector<1x1x16xf32>,
      }
      %scan3A_841 = arith.constant 196 : i32
      %mul3A_842 = arith.constant 128 : i32
      %mul3A_843 = arith.muli %rem3A_698, %mul3A_842 : i32
      %add3A_844 = arith.constant 48 : i32
      %add3A_845 = arith.addi %mul3A_843, %add3A_844 : i32
      %get3A_846 = arith.constant 0 : i32
      %get3A_847 = arith.index_cast %get3A_846 : i32 to index
      %get3A_848 = arith.index_cast %add3A_845 : i32 to index
      %get3A_849 = tpu.vector_load %arg6[%get3A_847, %get3A_848] {strides = array<i32>} : memref<1x768xf32, #tpu.memory_space<vmem>>, vector<1x16xf32>,
      %get3A_850 = vector.shape_cast %get3A_849 : vector<1x16xf32> to vector<16xf32>
      %scan3A_851 = arith.constant 0 : i32
      %scan3A_852 = arith.constant 0 : i32
      %scan3A_853 = arith.constant 196 : i32
      %scan3A_854 = arith.addi %scan3A_852, %scan3A_853 : i32
      %scan3A_855 = arith.constant 7 : i32
      scf.for %scan3A_996 = %scan3A_852 to %scan3A_854 step %scan3A_855  : i32 {
        %swap3A = arith.index_cast %rem3A_671 : i32 to index
        %swap3A_997 = arith.index_cast %scan3A_996 : i32 to index
        %swap3A_998 = arith.constant 48 : index
        %swap3A_999 = tpu.vector_load %arg5[%swap3A, %swap3A_997, %swap3A_998] {strides = array<i32>} : memref<5x196x128xf32, #tpu.memory_space<vmem>>, vector<1x1x16xf32>,
        %swap3A_1000 = vector.shape_cast %swap3A_999 : vector<1x1x16xf32> to vector<16xf32>
        %swap3A_1001 = vector.shape_cast %get3A_850 : vector<16xf32> to vector<1x1x16xf32>
        tpu.vector_store %arg5[%swap3A, %swap3A_997, %swap3A_998], %swap3A_1001 {add = true, strides = array<i32>} : memref<5x196x128xf32, #tpu.memory_space<vmem>>, vector<1x1x16xf32>,
        %scan3A_1002 = arith.constant 1 : i32
        %scan3A_1003 = arith.addi %scan3A_996, %scan3A_1002 : i32
        %swap3A_1004 = arith.index_cast %rem3A_671 : i32 to index
        %swap3A_1005 = arith.index_cast %scan3A_1003 : i32 to index
        %swap3A_1006 = arith.constant 48 : index
        %swap3A_1007 = tpu.vector_load %arg5[%swap3A_1004, %swap3A_1005, %swap3A_1006] {strides = array<i32>} : memref<5x196x128xf32, #tpu.memory_space<vmem>>, vector<1x1x16xf32>,
        %swap3A_1008 = vector.shape_cast %swap3A_1007 : vector<1x1x16xf32> to vector<16xf32>
        %swap3A_1009 = vector.shape_cast %get3A_850 : vector<16xf32> to vector<1x1x16xf32>
        tpu.vector_store %arg5[%swap3A_1004, %swap3A_1005, %swap3A_1006], %swap3A_1009 {add = true, strides = array<i32>} : memref<5x196x128xf32, #tpu.memory_space<vmem>>, vector<1x1x16xf32>,
        %scan3A_1010 = arith.constant 2 : i32
        %scan3A_1011 = arith.addi %scan3A_996, %scan3A_1010 : i32
        %swap3A_1012 = arith.index_cast %rem3A_671 : i32 to index
        %swap3A_1013 = arith.index_cast %scan3A_1011 : i32 to index
        %swap3A_1014 = arith.constant 48 : index
        %swap3A_1015 = tpu.vector_load %arg5[%swap3A_1012, %swap3A_1013, %swap3A_1014] {strides = array<i32>} : memref<5x196x128xf32, #tpu.memory_space<vmem>>, vector<1x1x16xf32>,
        %swap3A_1016 = vector.shape_cast %swap3A_1015 : vector<1x1x16xf32> to vector<16xf32>
        %swap3A_1017 = vector.shape_cast %get3A_850 : vector<16xf32> to vector<1x1x16xf32>
        tpu.vector_store %arg5[%swap3A_1012, %swap3A_1013, %swap3A_1014], %swap3A_1017 {add = true, strides = array<i32>} : memref<5x196x128xf32, #tpu.memory_space<vmem>>, vector<1x1x16xf32>,
        %scan3A_1018 = arith.constant 3 : i32
        %scan3A_1019 = arith.addi %scan3A_996, %scan3A_1018 : i32
        %swap3A_1020 = arith.index_cast %rem3A_671 : i32 to index
        %swap3A_1021 = arith.index_cast %scan3A_1019 : i32 to index
        %swap3A_1022 = arith.constant 48 : index
        %swap3A_1023 = tpu.vector_load %arg5[%swap3A_1020, %swap3A_1021, %swap3A_1022] {strides = array<i32>} : memref<5x196x128xf32, #tpu.memory_space<vmem>>, vector<1x1x16xf32>,
        %swap3A_1024 = vector.shape_cast %swap3A_1023 : vector<1x1x16xf32> to vector<16xf32>
        %swap3A_1025 = vector.shape_cast %get3A_850 : vector<16xf32> to vector<1x1x16xf32>
        tpu.vector_store %arg5[%swap3A_1020, %swap3A_1021, %swap3A_1022], %swap3A_1025 {add = true, strides = array<i32>} : memref<5x196x128xf32, #tpu.memory_space<vmem>>, vector<1x1x16xf32>,
        %scan3A_1026 = arith.constant 4 : i32
        %scan3A_1027 = arith.addi %scan3A_996, %scan3A_1026 : i32
        %swap3A_1028 = arith.index_cast %rem3A_671 : i32 to index
        %swap3A_1029 = arith.index_cast %scan3A_1027 : i32 to index
        %swap3A_1030 = arith.constant 48 : index
        %swap3A_1031 = tpu.vector_load %arg5[%swap3A_1028, %swap3A_1029, %swap3A_1030] {strides = array<i32>} : memref<5x196x128xf32, #tpu.memory_space<vmem>>, vector<1x1x16xf32>,
        %swap3A_1032 = vector.shape_cast %swap3A_1031 : vector<1x1x16xf32> to vector<16xf32>
        %swap3A_1033 = vector.shape_cast %get3A_850 : vector<16xf32> to vector<1x1x16xf32>
        tpu.vector_store %arg5[%swap3A_1028, %swap3A_1029, %swap3A_1030], %swap3A_1033 {add = true, strides = array<i32>} : memref<5x196x128xf32, #tpu.memory_space<vmem>>, vector<1x1x16xf32>,
        %scan3A_1034 = arith.constant 5 : i32
        %scan3A_1035 = arith.addi %scan3A_996, %scan3A_1034 : i32
        %swap3A_1036 = arith.index_cast %rem3A_671 : i32 to index
        %swap3A_1037 = arith.index_cast %scan3A_1035 : i32 to index
        %swap3A_1038 = arith.constant 48 : index
        %swap3A_1039 = tpu.vector_load %arg5[%swap3A_1036, %swap3A_1037, %swap3A_1038] {strides = array<i32>} : memref<5x196x128xf32, #tpu.memory_space<vmem>>, vector<1x1x16xf32>,
        %swap3A_1040 = vector.shape_cast %swap3A_1039 : vector<1x1x16xf32> to vector<16xf32>
        %swap3A_1041 = vector.shape_cast %get3A_850 : vector<16xf32> to vector<1x1x16xf32>
        tpu.vector_store %arg5[%swap3A_1036, %swap3A_1037, %swap3A_1038], %swap3A_1041 {add = true, strides = array<i32>} : memref<5x196x128xf32, #tpu.memory_space<vmem>>, vector<1x1x16xf32>,
        %scan3A_1042 = arith.constant 6 : i32
        %scan3A_1043 = arith.addi %scan3A_996, %scan3A_1042 : i32
        %swap3A_1044 = arith.index_cast %rem3A_671 : i32 to index
        %swap3A_1045 = arith.index_cast %scan3A_1043 : i32 to index
        %swap3A_1046 = arith.constant 48 : index
        %swap3A_1047 = tpu.vector_load %arg5[%swap3A_1044, %swap3A_1045, %swap3A_1046] {strides = array<i32>} : memref<5x196x128xf32, #tpu.memory_space<vmem>>, vector<1x1x16xf32>,
        %swap3A_1048 = vector.shape_cast %swap3A_1047 : vector<1x1x16xf32> to vector<16xf32>
        %swap3A_1049 = vector.shape_cast %get3A_850 : vector<16xf32> to vector<1x1x16xf32>
        tpu.vector_store %arg5[%swap3A_1044, %swap3A_1045, %swap3A_1046], %swap3A_1049 {add = true, strides = array<i32>} : memref<5x196x128xf32, #tpu.memory_space<vmem>>, vector<1x1x16xf32>,
      }
      %scan3A_856 = arith.constant 196 : i32
      %mul3A_857 = arith.constant 128 : i32
      %mul3A_858 = arith.muli %rem3A_698, %mul3A_857 : i32
      %add3A_859 = arith.constant 64 : i32
      %add3A_860 = arith.addi %mul3A_858, %add3A_859 : i32
      %get3A_861 = arith.constant 0 : i32
      %get3A_862 = arith.index_cast %get3A_861 : i32 to index
      %get3A_863 = arith.index_cast %add3A_860 : i32 to index
      %get3A_864 = tpu.vector_load %arg6[%get3A_862, %get3A_863] {strides = array<i32>} : memref<1x768xf32, #tpu.memory_space<vmem>>, vector<1x16xf32>,
      %get3A_865 = vector.shape_cast %get3A_864 : vector<1x16xf32> to vector<16xf32>
      %scan3A_866 = arith.constant 0 : i32
      %scan3A_867 = arith.constant 0 : i32
      %scan3A_868 = arith.constant 196 : i32
      %scan3A_869 = arith.addi %scan3A_867, %scan3A_868 : i32
      %scan3A_870 = arith.constant 7 : i32
      scf.for %scan3A_996 = %scan3A_867 to %scan3A_869 step %scan3A_870  : i32 {
        %swap3A = arith.index_cast %rem3A_671 : i32 to index
        %swap3A_997 = arith.index_cast %scan3A_996 : i32 to index
        %swap3A_998 = arith.constant 64 : index
        %swap3A_999 = tpu.vector_load %arg5[%swap3A, %swap3A_997, %swap3A_998] {strides = array<i32>} : memref<5x196x128xf32, #tpu.memory_space<vmem>>, vector<1x1x16xf32>,
        %swap3A_1000 = vector.shape_cast %swap3A_999 : vector<1x1x16xf32> to vector<16xf32>
        %swap3A_1001 = vector.shape_cast %get3A_865 : vector<16xf32> to vector<1x1x16xf32>
        tpu.vector_store %arg5[%swap3A, %swap3A_997, %swap3A_998], %swap3A_1001 {add = true, strides = array<i32>} : memref<5x196x128xf32, #tpu.memory_space<vmem>>, vector<1x1x16xf32>,
        %scan3A_1002 = arith.constant 1 : i32
        %scan3A_1003 = arith.addi %scan3A_996, %scan3A_1002 : i32
        %swap3A_1004 = arith.index_cast %rem3A_671 : i32 to index
        %swap3A_1005 = arith.index_cast %scan3A_1003 : i32 to index
        %swap3A_1006 = arith.constant 64 : index
        %swap3A_1007 = tpu.vector_load %arg5[%swap3A_1004, %swap3A_1005, %swap3A_1006] {strides = array<i32>} : memref<5x196x128xf32, #tpu.memory_space<vmem>>, vector<1x1x16xf32>,
        %swap3A_1008 = vector.shape_cast %swap3A_1007 : vector<1x1x16xf32> to vector<16xf32>
        %swap3A_1009 = vector.shape_cast %get3A_865 : vector<16xf32> to vector<1x1x16xf32>
        tpu.vector_store %arg5[%swap3A_1004, %swap3A_1005, %swap3A_1006], %swap3A_1009 {add = true, strides = array<i32>} : memref<5x196x128xf32, #tpu.memory_space<vmem>>, vector<1x1x16xf32>,
        %scan3A_1010 = arith.constant 2 : i32
        %scan3A_1011 = arith.addi %scan3A_996, %scan3A_1010 : i32
        %swap3A_1012 = arith.index_cast %rem3A_671 : i32 to index
        %swap3A_1013 = arith.index_cast %scan3A_1011 : i32 to index
        %swap3A_1014 = arith.constant 64 : index
        %swap3A_1015 = tpu.vector_load %arg5[%swap3A_1012, %swap3A_1013, %swap3A_1014] {strides = array<i32>} : memref<5x196x128xf32, #tpu.memory_space<vmem>>, vector<1x1x16xf32>,
        %swap3A_1016 = vector.shape_cast %swap3A_1015 : vector<1x1x16xf32> to vector<16xf32>
        %swap3A_1017 = vector.shape_cast %get3A_865 : vector<16xf32> to vector<1x1x16xf32>
        tpu.vector_store %arg5[%swap3A_1012, %swap3A_1013, %swap3A_1014], %swap3A_1017 {add = true, strides = array<i32>} : memref<5x196x128xf32, #tpu.memory_space<vmem>>, vector<1x1x16xf32>,
        %scan3A_1018 = arith.constant 3 : i32
        %scan3A_1019 = arith.addi %scan3A_996, %scan3A_1018 : i32
        %swap3A_1020 = arith.index_cast %rem3A_671 : i32 to index
        %swap3A_1021 = arith.index_cast %scan3A_1019 : i32 to index
        %swap3A_1022 = arith.constant 64 : index
        %swap3A_1023 = tpu.vector_load %arg5[%swap3A_1020, %swap3A_1021, %swap3A_1022] {strides = array<i32>} : memref<5x196x128xf32, #tpu.memory_space<vmem>>, vector<1x1x16xf32>,
        %swap3A_1024 = vector.shape_cast %swap3A_1023 : vector<1x1x16xf32> to vector<16xf32>
        %swap3A_1025 = vector.shape_cast %get3A_865 : vector<16xf32> to vector<1x1x16xf32>
        tpu.vector_store %arg5[%swap3A_1020, %swap3A_1021, %swap3A_1022], %swap3A_1025 {add = true, strides = array<i32>} : memref<5x196x128xf32, #tpu.memory_space<vmem>>, vector<1x1x16xf32>,
        %scan3A_1026 = arith.constant 4 : i32
        %scan3A_1027 = arith.addi %scan3A_996, %scan3A_1026 : i32
        %swap3A_1028 = arith.index_cast %rem3A_671 : i32 to index
        %swap3A_1029 = arith.index_cast %scan3A_1027 : i32 to index
        %swap3A_1030 = arith.constant 64 : index
        %swap3A_1031 = tpu.vector_load %arg5[%swap3A_1028, %swap3A_1029, %swap3A_1030] {strides = array<i32>} : memref<5x196x128xf32, #tpu.memory_space<vmem>>, vector<1x1x16xf32>,
        %swap3A_1032 = vector.shape_cast %swap3A_1031 : vector<1x1x16xf32> to vector<16xf32>
        %swap3A_1033 = vector.shape_cast %get3A_865 : vector<16xf32> to vector<1x1x16xf32>
        tpu.vector_store %arg5[%swap3A_1028, %swap3A_1029, %swap3A_1030], %swap3A_1033 {add = true, strides = array<i32>} : memref<5x196x128xf32, #tpu.memory_space<vmem>>, vector<1x1x16xf32>,
        %scan3A_1034 = arith.constant 5 : i32
        %scan3A_1035 = arith.addi %scan3A_996, %scan3A_1034 : i32
        %swap3A_1036 = arith.index_cast %rem3A_671 : i32 to index
        %swap3A_1037 = arith.index_cast %scan3A_1035 : i32 to index
        %swap3A_1038 = arith.constant 64 : index
        %swap3A_1039 = tpu.vector_load %arg5[%swap3A_1036, %swap3A_1037, %swap3A_1038] {strides = array<i32>} : memref<5x196x128xf32, #tpu.memory_space<vmem>>, vector<1x1x16xf32>,
        %swap3A_1040 = vector.shape_cast %swap3A_1039 : vector<1x1x16xf32> to vector<16xf32>
        %swap3A_1041 = vector.shape_cast %get3A_865 : vector<16xf32> to vector<1x1x16xf32>
        tpu.vector_store %arg5[%swap3A_1036, %swap3A_1037, %swap3A_1038], %swap3A_1041 {add = true, strides = array<i32>} : memref<5x196x128xf32, #tpu.memory_space<vmem>>, vector<1x1x16xf32>,
        %scan3A_1042 = arith.constant 6 : i32
        %scan3A_1043 = arith.addi %scan3A_996, %scan3A_1042 : i32
        %swap3A_1044 = arith.index_cast %rem3A_671 : i32 to index
        %swap3A_1045 = arith.index_cast %scan3A_1043 : i32 to index
        %swap3A_1046 = arith.constant 64 : index
        %swap3A_1047 = tpu.vector_load %arg5[%swap3A_1044, %swap3A_1045, %swap3A_1046] {strides = array<i32>} : memref<5x196x128xf32, #tpu.memory_space<vmem>>, vector<1x1x16xf32>,
        %swap3A_1048 = vector.shape_cast %swap3A_1047 : vector<1x1x16xf32> to vector<16xf32>
        %swap3A_1049 = vector.shape_cast %get3A_865 : vector<16xf32> to vector<1x1x16xf32>
        tpu.vector_store %arg5[%swap3A_1044, %swap3A_1045, %swap3A_1046], %swap3A_1049 {add = true, strides = array<i32>} : memref<5x196x128xf32, #tpu.memory_space<vmem>>, vector<1x1x16xf32>,
      }
      %scan3A_871 = arith.constant 196 : i32
      %mul3A_872 = arith.constant 128 : i32
      %mul3A_873 = arith.muli %rem3A_698, %mul3A_872 : i32
      %add3A_874 = arith.constant 80 : i32
      %add3A_875 = arith.addi %mul3A_873, %add3A_874 : i32
      %get3A_876 = arith.constant 0 : i32
      %get3A_877 = arith.index_cast %get3A_876 : i32 to index
      %get3A_878 = arith.index_cast %add3A_875 : i32 to index
      %get3A_879 = tpu.vector_load %arg6[%get3A_877, %get3A_878] {strides = array<i32>} : memref<1x768xf32, #tpu.memory_space<vmem>>, vector<1x16xf32>,
      %get3A_880 = vector.shape_cast %get3A_879 : vector<1x16xf32> to vector<16xf32>
      %scan3A_881 = arith.constant 0 : i32
      %scan3A_882 = arith.constant 0 : i32
      %scan3A_883 = arith.constant 196 : i32
      %scan3A_884 = arith.addi %scan3A_882, %scan3A_883 : i32
      %scan3A_885 = arith.constant 7 : i32
      scf.for %scan3A_996 = %scan3A_882 to %scan3A_884 step %scan3A_885  : i32 {
        %swap3A = arith.index_cast %rem3A_671 : i32 to index
        %swap3A_997 = arith.index_cast %scan3A_996 : i32 to index
        %swap3A_998 = arith.constant 80 : index
        %swap3A_999 = tpu.vector_load %arg5[%swap3A, %swap3A_997, %swap3A_998] {strides = array<i32>} : memref<5x196x128xf32, #tpu.memory_space<vmem>>, vector<1x1x16xf32>,
        %swap3A_1000 = vector.shape_cast %swap3A_999 : vector<1x1x16xf32> to vector<16xf32>
        %swap3A_1001 = vector.shape_cast %get3A_880 : vector<16xf32> to vector<1x1x16xf32>
        tpu.vector_store %arg5[%swap3A, %swap3A_997, %swap3A_998], %swap3A_1001 {add = true, strides = array<i32>} : memref<5x196x128xf32, #tpu.memory_space<vmem>>, vector<1x1x16xf32>,
        %scan3A_1002 = arith.constant 1 : i32
        %scan3A_1003 = arith.addi %scan3A_996, %scan3A_1002 : i32
        %swap3A_1004 = arith.index_cast %rem3A_671 : i32 to index
        %swap3A_1005 = arith.index_cast %scan3A_1003 : i32 to index
        %swap3A_1006 = arith.constant 80 : index
        %swap3A_1007 = tpu.vector_load %arg5[%swap3A_1004, %swap3A_1005, %swap3A_1006] {strides = array<i32>} : memref<5x196x128xf32, #tpu.memory_space<vmem>>, vector<1x1x16xf32>,
        %swap3A_1008 = vector.shape_cast %swap3A_1007 : vector<1x1x16xf32> to vector<16xf32>
        %swap3A_1009 = vector.shape_cast %get3A_880 : vector<16xf32> to vector<1x1x16xf32>
        tpu.vector_store %arg5[%swap3A_1004, %swap3A_1005, %swap3A_1006], %swap3A_1009 {add = true, strides = array<i32>} : memref<5x196x128xf32, #tpu.memory_space<vmem>>, vector<1x1x16xf32>,
        %scan3A_1010 = arith.constant 2 : i32
        %scan3A_1011 = arith.addi %scan3A_996, %scan3A_1010 : i32
        %swap3A_1012 = arith.index_cast %rem3A_671 : i32 to index
        %swap3A_1013 = arith.index_cast %scan3A_1011 : i32 to index
        %swap3A_1014 = arith.constant 80 : index
        %swap3A_1015 = tpu.vector_load %arg5[%swap3A_1012, %swap3A_1013, %swap3A_1014] {strides = array<i32>} : memref<5x196x128xf32, #tpu.memory_space<vmem>>, vector<1x1x16xf32>,
        %swap3A_1016 = vector.shape_cast %swap3A_1015 : vector<1x1x16xf32> to vector<16xf32>
        %swap3A_1017 = vector.shape_cast %get3A_880 : vector<16xf32> to vector<1x1x16xf32>
        tpu.vector_store %arg5[%swap3A_1012, %swap3A_1013, %swap3A_1014], %swap3A_1017 {add = true, strides = array<i32>} : memref<5x196x128xf32, #tpu.memory_space<vmem>>, vector<1x1x16xf32>,
        %scan3A_1018 = arith.constant 3 : i32
        %scan3A_1019 = arith.addi %scan3A_996, %scan3A_1018 : i32
        %swap3A_1020 = arith.index_cast %rem3A_671 : i32 to index
        %swap3A_1021 = arith.index_cast %scan3A_1019 : i32 to index
        %swap3A_1022 = arith.constant 80 : index
        %swap3A_1023 = tpu.vector_load %arg5[%swap3A_1020, %swap3A_1021, %swap3A_1022] {strides = array<i32>} : memref<5x196x128xf32, #tpu.memory_space<vmem>>, vector<1x1x16xf32>,
        %swap3A_1024 = vector.shape_cast %swap3A_1023 : vector<1x1x16xf32> to vector<16xf32>
        %swap3A_1025 = vector.shape_cast %get3A_880 : vector<16xf32> to vector<1x1x16xf32>
        tpu.vector_store %arg5[%swap3A_1020, %swap3A_1021, %swap3A_1022], %swap3A_1025 {add = true, strides = array<i32>} : memref<5x196x128xf32, #tpu.memory_space<vmem>>, vector<1x1x16xf32>,
        %scan3A_1026 = arith.constant 4 : i32
        %scan3A_1027 = arith.addi %scan3A_996, %scan3A_1026 : i32
        %swap3A_1028 = arith.index_cast %rem3A_671 : i32 to index
        %swap3A_1029 = arith.index_cast %scan3A_1027 : i32 to index
        %swap3A_1030 = arith.constant 80 : index
        %swap3A_1031 = tpu.vector_load %arg5[%swap3A_1028, %swap3A_1029, %swap3A_1030] {strides = array<i32>} : memref<5x196x128xf32, #tpu.memory_space<vmem>>, vector<1x1x16xf32>,
        %swap3A_1032 = vector.shape_cast %swap3A_1031 : vector<1x1x16xf32> to vector<16xf32>
        %swap3A_1033 = vector.shape_cast %get3A_880 : vector<16xf32> to vector<1x1x16xf32>
        tpu.vector_store %arg5[%swap3A_1028, %swap3A_1029, %swap3A_1030], %swap3A_1033 {add = true, strides = array<i32>} : memref<5x196x128xf32, #tpu.memory_space<vmem>>, vector<1x1x16xf32>,
        %scan3A_1034 = arith.constant 5 : i32
        %scan3A_1035 = arith.addi %scan3A_996, %scan3A_1034 : i32
        %swap3A_1036 = arith.index_cast %rem3A_671 : i32 to index
        %swap3A_1037 = arith.index_cast %scan3A_1035 : i32 to index
        %swap3A_1038 = arith.constant 80 : index
        %swap3A_1039 = tpu.vector_load %arg5[%swap3A_1036, %swap3A_1037, %swap3A_1038] {strides = array<i32>} : memref<5x196x128xf32, #tpu.memory_space<vmem>>, vector<1x1x16xf32>,
        %swap3A_1040 = vector.shape_cast %swap3A_1039 : vector<1x1x16xf32> to vector<16xf32>
        %swap3A_1041 = vector.shape_cast %get3A_880 : vector<16xf32> to vector<1x1x16xf32>
        tpu.vector_store %arg5[%swap3A_1036, %swap3A_1037, %swap3A_1038], %swap3A_1041 {add = true, strides = array<i32>} : memref<5x196x128xf32, #tpu.memory_space<vmem>>, vector<1x1x16xf32>,
        %scan3A_1042 = arith.constant 6 : i32
        %scan3A_1043 = arith.addi %scan3A_996, %scan3A_1042 : i32
        %swap3A_1044 = arith.index_cast %rem3A_671 : i32 to index
        %swap3A_1045 = arith.index_cast %scan3A_1043 : i32 to index
        %swap3A_1046 = arith.constant 80 : index
        %swap3A_1047 = tpu.vector_load %arg5[%swap3A_1044, %swap3A_1045, %swap3A_1046] {strides = array<i32>} : memref<5x196x128xf32, #tpu.memory_space<vmem>>, vector<1x1x16xf32>,
        %swap3A_1048 = vector.shape_cast %swap3A_1047 : vector<1x1x16xf32> to vector<16xf32>
        %swap3A_1049 = vector.shape_cast %get3A_880 : vector<16xf32> to vector<1x1x16xf32>
        tpu.vector_store %arg5[%swap3A_1044, %swap3A_1045, %swap3A_1046], %swap3A_1049 {add = true, strides = array<i32>} : memref<5x196x128xf32, #tpu.memory_space<vmem>>, vector<1x1x16xf32>,
      }
      %scan3A_886 = arith.constant 196 : i32
      %mul3A_887 = arith.constant 128 : i32
      %mul3A_888 = arith.muli %rem3A_698, %mul3A_887 : i32
      %add3A_889 = arith.constant 96 : i32
      %add3A_890 = arith.addi %mul3A_888, %add3A_889 : i32
      %get3A_891 = arith.constant 0 : i32
      %get3A_892 = arith.index_cast %get3A_891 : i32 to index
      %get3A_893 = arith.index_cast %add3A_890 : i32 to index
      %get3A_894 = tpu.vector_load %arg6[%get3A_892, %get3A_893] {strides = array<i32>} : memref<1x768xf32, #tpu.memory_space<vmem>>, vector<1x16xf32>,
      %get3A_895 = vector.shape_cast %get3A_894 : vector<1x16xf32> to vector<16xf32>
      %scan3A_896 = arith.constant 0 : i32
      %scan3A_897 = arith.constant 0 : i32
      %scan3A_898 = arith.constant 196 : i32
      %scan3A_899 = arith.addi %scan3A_897, %scan3A_898 : i32
      %scan3A_900 = arith.constant 7 : i32
      scf.for %scan3A_996 = %scan3A_897 to %scan3A_899 step %scan3A_900  : i32 {
        %swap3A = arith.index_cast %rem3A_671 : i32 to index
        %swap3A_997 = arith.index_cast %scan3A_996 : i32 to index
        %swap3A_998 = arith.constant 96 : index
        %swap3A_999 = tpu.vector_load %arg5[%swap3A, %swap3A_997, %swap3A_998] {strides = array<i32>} : memref<5x196x128xf32, #tpu.memory_space<vmem>>, vector<1x1x16xf32>,
        %swap3A_1000 = vector.shape_cast %swap3A_999 : vector<1x1x16xf32> to vector<16xf32>
        %swap3A_1001 = vector.shape_cast %get3A_895 : vector<16xf32> to vector<1x1x16xf32>
        tpu.vector_store %arg5[%swap3A, %swap3A_997, %swap3A_998], %swap3A_1001 {add = true, strides = array<i32>} : memref<5x196x128xf32, #tpu.memory_space<vmem>>, vector<1x1x16xf32>,
        %scan3A_1002 = arith.constant 1 : i32
        %scan3A_1003 = arith.addi %scan3A_996, %scan3A_1002 : i32
        %swap3A_1004 = arith.index_cast %rem3A_671 : i32 to index
        %swap3A_1005 = arith.index_cast %scan3A_1003 : i32 to index
        %swap3A_1006 = arith.constant 96 : index
        %swap3A_1007 = tpu.vector_load %arg5[%swap3A_1004, %swap3A_1005, %swap3A_1006] {strides = array<i32>} : memref<5x196x128xf32, #tpu.memory_space<vmem>>, vector<1x1x16xf32>,
        %swap3A_1008 = vector.shape_cast %swap3A_1007 : vector<1x1x16xf32> to vector<16xf32>
        %swap3A_1009 = vector.shape_cast %get3A_895 : vector<16xf32> to vector<1x1x16xf32>
        tpu.vector_store %arg5[%swap3A_1004, %swap3A_1005, %swap3A_1006], %swap3A_1009 {add = true, strides = array<i32>} : memref<5x196x128xf32, #tpu.memory_space<vmem>>, vector<1x1x16xf32>,
        %scan3A_1010 = arith.constant 2 : i32
        %scan3A_1011 = arith.addi %scan3A_996, %scan3A_1010 : i32
        %swap3A_1012 = arith.index_cast %rem3A_671 : i32 to index
        %swap3A_1013 = arith.index_cast %scan3A_1011 : i32 to index
        %swap3A_1014 = arith.constant 96 : index
        %swap3A_1015 = tpu.vector_load %arg5[%swap3A_1012, %swap3A_1013, %swap3A_1014] {strides = array<i32>} : memref<5x196x128xf32, #tpu.memory_space<vmem>>, vector<1x1x16xf32>,
        %swap3A_1016 = vector.shape_cast %swap3A_1015 : vector<1x1x16xf32> to vector<16xf32>
        %swap3A_1017 = vector.shape_cast %get3A_895 : vector<16xf32> to vector<1x1x16xf32>
        tpu.vector_store %arg5[%swap3A_1012, %swap3A_1013, %swap3A_1014], %swap3A_1017 {add = true, strides = array<i32>} : memref<5x196x128xf32, #tpu.memory_space<vmem>>, vector<1x1x16xf32>,
        %scan3A_1018 = arith.constant 3 : i32
        %scan3A_1019 = arith.addi %scan3A_996, %scan3A_1018 : i32
        %swap3A_1020 = arith.index_cast %rem3A_671 : i32 to index
        %swap3A_1021 = arith.index_cast %scan3A_1019 : i32 to index
        %swap3A_1022 = arith.constant 96 : index
        %swap3A_1023 = tpu.vector_load %arg5[%swap3A_1020, %swap3A_1021, %swap3A_1022] {strides = array<i32>} : memref<5x196x128xf32, #tpu.memory_space<vmem>>, vector<1x1x16xf32>,
        %swap3A_1024 = vector.shape_cast %swap3A_1023 : vector<1x1x16xf32> to vector<16xf32>
        %swap3A_1025 = vector.shape_cast %get3A_895 : vector<16xf32> to vector<1x1x16xf32>
        tpu.vector_store %arg5[%swap3A_1020, %swap3A_1021, %swap3A_1022], %swap3A_1025 {add = true, strides = array<i32>} : memref<5x196x128xf32, #tpu.memory_space<vmem>>, vector<1x1x16xf32>,
        %scan3A_1026 = arith.constant 4 : i32
        %scan3A_1027 = arith.addi %scan3A_996, %scan3A_1026 : i32
        %swap3A_1028 = arith.index_cast %rem3A_671 : i32 to index
        %swap3A_1029 = arith.index_cast %scan3A_1027 : i32 to index
        %swap3A_1030 = arith.constant 96 : index
        %swap3A_1031 = tpu.vector_load %arg5[%swap3A_1028, %swap3A_1029, %swap3A_1030] {strides = array<i32>} : memref<5x196x128xf32, #tpu.memory_space<vmem>>, vector<1x1x16xf32>,
        %swap3A_1032 = vector.shape_cast %swap3A_1031 : vector<1x1x16xf32> to vector<16xf32>
        %swap3A_1033 = vector.shape_cast %get3A_895 : vector<16xf32> to vector<1x1x16xf32>
        tpu.vector_store %arg5[%swap3A_1028, %swap3A_1029, %swap3A_1030], %swap3A_1033 {add = true, strides = array<i32>} : memref<5x196x128xf32, #tpu.memory_space<vmem>>, vector<1x1x16xf32>,
        %scan3A_1034 = arith.constant 5 : i32
        %scan3A_1035 = arith.addi %scan3A_996, %scan3A_1034 : i32
        %swap3A_1036 = arith.index_cast %rem3A_671 : i32 to index
        %swap3A_1037 = arith.index_cast %scan3A_1035 : i32 to index
        %swap3A_1038 = arith.constant 96 : index
        %swap3A_1039 = tpu.vector_load %arg5[%swap3A_1036, %swap3A_1037, %swap3A_1038] {strides = array<i32>} : memref<5x196x128xf32, #tpu.memory_space<vmem>>, vector<1x1x16xf32>,
        %swap3A_1040 = vector.shape_cast %swap3A_1039 : vector<1x1x16xf32> to vector<16xf32>
        %swap3A_1041 = vector.shape_cast %get3A_895 : vector<16xf32> to vector<1x1x16xf32>
        tpu.vector_store %arg5[%swap3A_1036, %swap3A_1037, %swap3A_1038], %swap3A_1041 {add = true, strides = array<i32>} : memref<5x196x128xf32, #tpu.memory_space<vmem>>, vector<1x1x16xf32>,
        %scan3A_1042 = arith.constant 6 : i32
        %scan3A_1043 = arith.addi %scan3A_996, %scan3A_1042 : i32
        %swap3A_1044 = arith.index_cast %rem3A_671 : i32 to index
        %swap3A_1045 = arith.index_cast %scan3A_1043 : i32 to index
        %swap3A_1046 = arith.constant 96 : index
        %swap3A_1047 = tpu.vector_load %arg5[%swap3A_1044, %swap3A_1045, %swap3A_1046] {strides = array<i32>} : memref<5x196x128xf32, #tpu.memory_space<vmem>>, vector<1x1x16xf32>,
        %swap3A_1048 = vector.shape_cast %swap3A_1047 : vector<1x1x16xf32> to vector<16xf32>
        %swap3A_1049 = vector.shape_cast %get3A_895 : vector<16xf32> to vector<1x1x16xf32>
        tpu.vector_store %arg5[%swap3A_1044, %swap3A_1045, %swap3A_1046], %swap3A_1049 {add = true, strides = array<i32>} : memref<5x196x128xf32, #tpu.memory_space<vmem>>, vector<1x1x16xf32>,
      }
      %scan3A_901 = arith.constant 196 : i32
      %mul3A_902 = arith.constant 128 : i32
      %mul3A_903 = arith.muli %rem3A_698, %mul3A_902 : i32
      %add3A_904 = arith.constant 112 : i32
      %add3A_905 = arith.addi %mul3A_903, %add3A_904 : i32
      %get3A_906 = arith.constant 0 : i32
      %get3A_907 = arith.index_cast %get3A_906 : i32 to index
      %get3A_908 = arith.index_cast %add3A_905 : i32 to index
      %get3A_909 = tpu.vector_load %arg6[%get3A_907, %get3A_908] {strides = array<i32>} : memref<1x768xf32, #tpu.memory_space<vmem>>, vector<1x16xf32>,
      %get3A_910 = vector.shape_cast %get3A_909 : vector<1x16xf32> to vector<16xf32>
      %scan3A_911 = arith.constant 0 : i32
      %scan3A_912 = arith.constant 0 : i32
      %scan3A_913 = arith.constant 196 : i32
      %scan3A_914 = arith.addi %scan3A_912, %scan3A_913 : i32
      %scan3A_915 = arith.constant 7 : i32
      scf.for %scan3A_996 = %scan3A_912 to %scan3A_914 step %scan3A_915  : i32 {
        %swap3A = arith.index_cast %rem3A_671 : i32 to index
        %swap3A_997 = arith.index_cast %scan3A_996 : i32 to index
        %swap3A_998 = arith.constant 112 : index
        %swap3A_999 = tpu.vector_load %arg5[%swap3A, %swap3A_997, %swap3A_998] {strides = array<i32>} : memref<5x196x128xf32, #tpu.memory_space<vmem>>, vector<1x1x16xf32>,
        %swap3A_1000 = vector.shape_cast %swap3A_999 : vector<1x1x16xf32> to vector<16xf32>
        %swap3A_1001 = vector.shape_cast %get3A_910 : vector<16xf32> to vector<1x1x16xf32>
        tpu.vector_store %arg5[%swap3A, %swap3A_997, %swap3A_998], %swap3A_1001 {add = true, strides = array<i32>} : memref<5x196x128xf32, #tpu.memory_space<vmem>>, vector<1x1x16xf32>,
        %scan3A_1002 = arith.constant 1 : i32
        %scan3A_1003 = arith.addi %scan3A_996, %scan3A_1002 : i32
        %swap3A_1004 = arith.index_cast %rem3A_671 : i32 to index
        %swap3A_1005 = arith.index_cast %scan3A_1003 : i32 to index
        %swap3A_1006 = arith.constant 112 : index
        %swap3A_1007 = tpu.vector_load %arg5[%swap3A_1004, %swap3A_1005, %swap3A_1006] {strides = array<i32>} : memref<5x196x128xf32, #tpu.memory_space<vmem>>, vector<1x1x16xf32>,
        %swap3A_1008 = vector.shape_cast %swap3A_1007 : vector<1x1x16xf32> to vector<16xf32>
        %swap3A_1009 = vector.shape_cast %get3A_910 : vector<16xf32> to vector<1x1x16xf32>
        tpu.vector_store %arg5[%swap3A_1004, %swap3A_1005, %swap3A_1006], %swap3A_1009 {add = true, strides = array<i32>} : memref<5x196x128xf32, #tpu.memory_space<vmem>>, vector<1x1x16xf32>,
        %scan3A_1010 = arith.constant 2 : i32
        %scan3A_1011 = arith.addi %scan3A_996, %scan3A_1010 : i32
        %swap3A_1012 = arith.index_cast %rem3A_671 : i32 to index
        %swap3A_1013 = arith.index_cast %scan3A_1011 : i32 to index
        %swap3A_1014 = arith.constant 112 : index
        %swap3A_1015 = tpu.vector_load %arg5[%swap3A_1012, %swap3A_1013, %swap3A_1014] {strides = array<i32>} : memref<5x196x128xf32, #tpu.memory_space<vmem>>, vector<1x1x16xf32>,
        %swap3A_1016 = vector.shape_cast %swap3A_1015 : vector<1x1x16xf32> to vector<16xf32>
        %swap3A_1017 = vector.shape_cast %get3A_910 : vector<16xf32> to vector<1x1x16xf32>
        tpu.vector_store %arg5[%swap3A_1012, %swap3A_1013, %swap3A_1014], %swap3A_1017 {add = true, strides = array<i32>} : memref<5x196x128xf32, #tpu.memory_space<vmem>>, vector<1x1x16xf32>,
        %scan3A_1018 = arith.constant 3 : i32
        %scan3A_1019 = arith.addi %scan3A_996, %scan3A_1018 : i32
        %swap3A_1020 = arith.index_cast %rem3A_671 : i32 to index
        %swap3A_1021 = arith.index_cast %scan3A_1019 : i32 to index
        %swap3A_1022 = arith.constant 112 : index
        %swap3A_1023 = tpu.vector_load %arg5[%swap3A_1020, %swap3A_1021, %swap3A_1022] {strides = array<i32>} : memref<5x196x128xf32, #tpu.memory_space<vmem>>, vector<1x1x16xf32>,
        %swap3A_1024 = vector.shape_cast %swap3A_1023 : vector<1x1x16xf32> to vector<16xf32>
        %swap3A_1025 = vector.shape_cast %get3A_910 : vector<16xf32> to vector<1x1x16xf32>
        tpu.vector_store %arg5[%swap3A_1020, %swap3A_1021, %swap3A_1022], %swap3A_1025 {add = true, strides = array<i32>} : memref<5x196x128xf32, #tpu.memory_space<vmem>>, vector<1x1x16xf32>,
        %scan3A_1026 = arith.constant 4 : i32
        %scan3A_1027 = arith.addi %scan3A_996, %scan3A_1026 : i32
        %swap3A_1028 = arith.index_cast %rem3A_671 : i32 to index
        %swap3A_1029 = arith.index_cast %scan3A_1027 : i32 to index
        %swap3A_1030 = arith.constant 112 : index
        %swap3A_1031 = tpu.vector_load %arg5[%swap3A_1028, %swap3A_1029, %swap3A_1030] {strides = array<i32>} : memref<5x196x128xf32, #tpu.memory_space<vmem>>, vector<1x1x16xf32>,
        %swap3A_1032 = vector.shape_cast %swap3A_1031 : vector<1x1x16xf32> to vector<16xf32>
        %swap3A_1033 = vector.shape_cast %get3A_910 : vector<16xf32> to vector<1x1x16xf32>
        tpu.vector_store %arg5[%swap3A_1028, %swap3A_1029, %swap3A_1030], %swap3A_1033 {add = true, strides = array<i32>} : memref<5x196x128xf32, #tpu.memory_space<vmem>>, vector<1x1x16xf32>,
        %scan3A_1034 = arith.constant 5 : i32
        %scan3A_1035 = arith.addi %scan3A_996, %scan3A_1034 : i32
        %swap3A_1036 = arith.index_cast %rem3A_671 : i32 to index
        %swap3A_1037 = arith.index_cast %scan3A_1035 : i32 to index
        %swap3A_1038 = arith.constant 112 : index
        %swap3A_1039 = tpu.vector_load %arg5[%swap3A_1036, %swap3A_1037, %swap3A_1038] {strides = array<i32>} : memref<5x196x128xf32, #tpu.memory_space<vmem>>, vector<1x1x16xf32>,
        %swap3A_1040 = vector.shape_cast %swap3A_1039 : vector<1x1x16xf32> to vector<16xf32>
        %swap3A_1041 = vector.shape_cast %get3A_910 : vector<16xf32> to vector<1x1x16xf32>
        tpu.vector_store %arg5[%swap3A_1036, %swap3A_1037, %swap3A_1038], %swap3A_1041 {add = true, strides = array<i32>} : memref<5x196x128xf32, #tpu.memory_space<vmem>>, vector<1x1x16xf32>,
        %scan3A_1042 = arith.constant 6 : i32
        %scan3A_1043 = arith.addi %scan3A_996, %scan3A_1042 : i32
        %swap3A_1044 = arith.index_cast %rem3A_671 : i32 to index
        %swap3A_1045 = arith.index_cast %scan3A_1043 : i32 to index
        %swap3A_1046 = arith.constant 112 : index
        %swap3A_1047 = tpu.vector_load %arg5[%swap3A_1044, %swap3A_1045, %swap3A_1046] {strides = array<i32>} : memref<5x196x128xf32, #tpu.memory_space<vmem>>, vector<1x1x16xf32>,
        %swap3A_1048 = vector.shape_cast %swap3A_1047 : vector<1x1x16xf32> to vector<16xf32>
        %swap3A_1049 = vector.shape_cast %get3A_910 : vector<16xf32> to vector<1x1x16xf32>
        tpu.vector_store %arg5[%swap3A_1044, %swap3A_1045, %swap3A_1046], %swap3A_1049 {add = true, strides = array<i32>} : memref<5x196x128xf32, #tpu.memory_space<vmem>>, vector<1x1x16xf32>,
      }
      %scan3A_916 = arith.constant 196 : i32
      %add3A_917 = arith.addi %mul3A_2, %scan3A_669 : i32
      %jit3A_918 = arith.constant 6 : i32
      %div3A_919 = arith.divsi %add3A_917, %jit3A_918 : i32
      %sign3A_920 = arith.constant 0 : i32
      %sign3A_921 = arith.cmpi sgt, %add3A_917, %sign3A_920 : i32
      %sign3A_922 = arith.extui %sign3A_921 : i1 to i32
      %sign3A_923 = arith.constant 0 : i32
      %sign3A_924 = arith.cmpi slt, %add3A_917, %sign3A_923 : i32
      %sign3A_925 = arith.extui %sign3A_924 : i1 to i32
      %sign3A_926 = arith.subi %sign3A_922, %sign3A_925 : i32
      %sign3A_927 = arith.constant 0 : i32
      %sign3A_928 = arith.cmpi sgt, %jit3A_918, %sign3A_927 : i32
      %sign3A_929 = arith.extui %sign3A_928 : i1 to i32
      %sign3A_930 = arith.constant 0 : i32
      %sign3A_931 = arith.cmpi slt, %jit3A_918, %sign3A_930 : i32
      %sign3A_932 = arith.extui %sign3A_931 : i1 to i32
      %sign3A_933 = arith.subi %sign3A_929, %sign3A_932 : i32
      %ne3A_934 = arith.cmpi ne, %sign3A_926, %sign3A_933 : i32
      %rem3A_935 = arith.remsi %add3A_917, %jit3A_918 : i32
      %ne3A_936 = arith.constant 0 : i32
      %ne3A_937 = arith.cmpi ne, %rem3A_935, %ne3A_936 : i32
      %and3A_938 = arith.andi %ne3A_934, %ne3A_937 : i1
      %sub3A_939 = arith.constant 1 : i32
      %sub3A_940 = arith.subi %div3A_919, %sub3A_939 : i32
      %select_n3A_941 = arith.select %and3A_938, %sub3A_940, %div3A_919 : i32
      %rem3A_942 = arith.constant 6 : i32
      %rem3A_943 = arith.remsi %add3A_917, %rem3A_942 : i32
      %jit3A_944 = arith.constant 32 : i32
      %div3A_945 = arith.divsi %select_n3A_941, %jit3A_944 : i32
      %sign3A_946 = arith.constant 0 : i32
      %sign3A_947 = arith.cmpi sgt, %select_n3A_941, %sign3A_946 : i32
      %sign3A_948 = arith.extui %sign3A_947 : i1 to i32
      %sign3A_949 = arith.constant 0 : i32
      %sign3A_950 = arith.cmpi slt, %select_n3A_941, %sign3A_949 : i32
      %sign3A_951 = arith.extui %sign3A_950 : i1 to i32
      %sign3A_952 = arith.subi %sign3A_948, %sign3A_951 : i32
      %sign3A_953 = arith.constant 0 : i32
      %sign3A_954 = arith.cmpi sgt, %jit3A_944, %sign3A_953 : i32
      %sign3A_955 = arith.extui %sign3A_954 : i1 to i32
      %sign3A_956 = arith.constant 0 : i32
      %sign3A_957 = arith.cmpi slt, %jit3A_944, %sign3A_956 : i32
      %sign3A_958 = arith.extui %sign3A_957 : i1 to i32
      %sign3A_959 = arith.subi %sign3A_955, %sign3A_958 : i32
      %ne3A_960 = arith.cmpi ne, %sign3A_952, %sign3A_959 : i32
      %rem3A_961 = arith.remsi %select_n3A_941, %jit3A_944 : i32
      %ne3A_962 = arith.constant 0 : i32
      %ne3A_963 = arith.cmpi ne, %rem3A_961, %ne3A_962 : i32
      %and3A_964 = arith.andi %ne3A_960, %ne3A_963 : i1
      %sub3A_965 = arith.constant 1 : i32
      %sub3A_966 = arith.subi %div3A_945, %sub3A_965 : i32
      %select_n3A_967 = arith.select %and3A_964, %sub3A_966, %div3A_945 : i32
      %rem3A_968 = arith.constant 32 : i32
      %rem3A_969 = arith.remsi %select_n3A_941, %rem3A_968 : i32
      %mul3A_970 = arith.constant 128 : i32
      %mul3A_971 = arith.muli %rem3A_943, %mul3A_970 : i32
      %dma_start3A_972 = arith.constant 0 : i32
      %dma_start3A_973 = arith.constant 0 : i32
      %dma_start3A_974 = tpu.memref_slice %arg5[%rem3A_671, %dma_start3A_972, %dma_start3A_973] : memref<5x196x128xf32, #tpu.memory_space<vmem>> -> memref<1x196x128xf32, #tpu.memory_space<vmem>>
      %dma_start3A_975 = tpu.memref_squeeze %dma_start3A_974 : memref<1x196x128xf32, #tpu.memory_space<vmem>> -> memref<196x128xf32, #tpu.memory_space<vmem>>
      %dma_start3A_976 = arith.constant 0 : i32
      %dma_start3A_977 = tpu.memref_slice %arg4[%select_n3A_967, %rem3A_969, %dma_start3A_976, %mul3A_971] : memref<8x32x196x768xf32, #tpu.memory_space<hbm>> -> memref<1x1x196x128xf32, #tpu.memory_space<hbm>>
      %dma_start3A_978 = tpu.memref_squeeze %dma_start3A_977 : memref<1x1x196x128xf32, #tpu.memory_space<hbm>> -> memref<196x128xf32, #tpu.memory_space<hbm>>
      %dma_start3A_979 = tpu.memref_slice %arg8[%rem3A_671] : memref<5x!tpu.dma_semaphore, #tpu.memory_space<semaphore_mem>> -> memref<1x!tpu.dma_semaphore, #tpu.memory_space<semaphore_mem>>
      %dma_start3A_980 = tpu.memref_squeeze %dma_start3A_979 : memref<1x!tpu.dma_semaphore, #tpu.memory_space<semaphore_mem>> -> memref<!tpu.dma_semaphore, #tpu.memory_space<semaphore_mem>>
      %dma_start3A_981 = arith.constant 0 : i32
      %dma_start3A_982 = tpu.memref_slice %arg4[%select_n3A_967, %rem3A_969, %dma_start3A_981, %mul3A_971] : memref<8x32x196x768xf32, #tpu.memory_space<hbm>> -> memref<1x1x196x128xf32, #tpu.memory_space<hbm>>
      %dma_start3A_983 = tpu.memref_squeeze %dma_start3A_982 : memref<1x1x196x128xf32, #tpu.memory_space<hbm>> -> memref<196x128xf32, #tpu.memory_space<hbm>>
      %dma_start3A_984 = arith.constant 0 : i32
      %dma_start3A_985 = arith.constant 0 : i32
      %dma_start3A_986 = tpu.memref_slice %arg5[%rem3A_671, %dma_start3A_984, %dma_start3A_985] : memref<5x196x128xf32, #tpu.memory_space<vmem>> -> memref<1x196x128xf32, #tpu.memory_space<vmem>>
      %dma_start3A_987 = tpu.memref_squeeze %dma_start3A_986 : memref<1x196x128xf32, #tpu.memory_space<vmem>> -> memref<196x128xf32, #tpu.memory_space<vmem>>
      tpu.enqueue_dma source(%dma_start3A_987 : memref<196x128xf32, #tpu.memory_space<vmem>>) target(%dma_start3A_983 : memref<196x128xf32, #tpu.memory_space<hbm>>) target_semaphore(%dma_start3A_980 : memref<!tpu.dma_semaphore, #tpu.memory_space<semaphore_mem>>)
      %add3A_988 = arith.constant 4 : i32
      %add3A_989 = arith.addi %scan3A_669, %add3A_988 : i32
      %rem3A_990 = arith.constant 5 : i32
      %rem3A_991 = arith.remsi %add3A_989, %rem3A_990 : i32
      %lt3A = arith.constant 48 : i32
      %lt3A_992 = arith.cmpi slt, %add3A_989, %lt3A : i32
      %convert_element_type3A_993 = arith.extui %lt3A_992 : i1 to i32
      %cond3A_994 = arith.constant 0 : i32
      %cond3A_995 = arith.cmpi ne, %convert_element_type3A_993, %cond3A_994 : i32
      scf.if %cond3A_995 {
        %ge3A = arith.constant 1 : i32
        %ge3A_996 = arith.cmpi sge, %scan3A_669, %ge3A : i32
        %convert_element_type3A_997 = arith.extui %ge3A_996 : i1 to i32
        %cond3A_998 = arith.constant 0 : i32
        %cond3A_999 = arith.cmpi ne, %convert_element_type3A_997, %cond3A_998 : i32
        scf.if %cond3A_999 {
          %sub3A_1071 = arith.constant 1 : i32
          %sub3A_1072 = arith.subi %scan3A_669, %sub3A_1071 : i32
          %add3A_1073 = arith.addi %mul3A_2, %sub3A_1072 : i32
          %jit3A_1074 = arith.constant 6 : i32
          %div3A_1075 = arith.divsi %add3A_1073, %jit3A_1074 : i32
          %sign3A_1076 = arith.constant 0 : i32
          %sign3A_1077 = arith.cmpi sgt, %add3A_1073, %sign3A_1076 : i32
          %sign3A_1078 = arith.extui %sign3A_1077 : i1 to i32
          %sign3A_1079 = arith.constant 0 : i32
          %sign3A_1080 = arith.cmpi slt, %add3A_1073, %sign3A_1079 : i32
          %sign3A_1081 = arith.extui %sign3A_1080 : i1 to i32
          %sign3A_1082 = arith.subi %sign3A_1078, %sign3A_1081 : i32
          %sign3A_1083 = arith.constant 0 : i32
          %sign3A_1084 = arith.cmpi sgt, %jit3A_1074, %sign3A_1083 : i32
          %sign3A_1085 = arith.extui %sign3A_1084 : i1 to i32
          %sign3A_1086 = arith.constant 0 : i32
          %sign3A_1087 = arith.cmpi slt, %jit3A_1074, %sign3A_1086 : i32
          %sign3A_1088 = arith.extui %sign3A_1087 : i1 to i32
          %sign3A_1089 = arith.subi %sign3A_1085, %sign3A_1088 : i32
          %ne3A_1090 = arith.cmpi ne, %sign3A_1082, %sign3A_1089 : i32
          %rem3A_1091 = arith.remsi %add3A_1073, %jit3A_1074 : i32
          %ne3A_1092 = arith.constant 0 : i32
          %ne3A_1093 = arith.cmpi ne, %rem3A_1091, %ne3A_1092 : i32
          %and3A_1094 = arith.andi %ne3A_1090, %ne3A_1093 : i1
          %sub3A_1095 = arith.constant 1 : i32
          %sub3A_1096 = arith.subi %div3A_1075, %sub3A_1095 : i32
          %select_n3A_1097 = arith.select %and3A_1094, %sub3A_1096, %div3A_1075 : i32
          %rem3A_1098 = arith.constant 6 : i32
          %rem3A_1099 = arith.remsi %add3A_1073, %rem3A_1098 : i32
          %jit3A_1100 = arith.constant 32 : i32
          %div3A_1101 = arith.divsi %select_n3A_1097, %jit3A_1100 : i32
          %sign3A_1102 = arith.constant 0 : i32
          %sign3A_1103 = arith.cmpi sgt, %select_n3A_1097, %sign3A_1102 : i32
          %sign3A_1104 = arith.extui %sign3A_1103 : i1 to i32
          %sign3A_1105 = arith.constant 0 : i32
          %sign3A_1106 = arith.cmpi slt, %select_n3A_1097, %sign3A_1105 : i32
          %sign3A_1107 = arith.extui %sign3A_1106 : i1 to i32
          %sign3A_1108 = arith.subi %sign3A_1104, %sign3A_1107 : i32
          %sign3A_1109 = arith.constant 0 : i32
          %sign3A_1110 = arith.cmpi sgt, %jit3A_1100, %sign3A_1109 : i32
          %sign3A_1111 = arith.extui %sign3A_1110 : i1 to i32
          %sign3A_1112 = arith.constant 0 : i32
          %sign3A_1113 = arith.cmpi slt, %jit3A_1100, %sign3A_1112 : i32
          %sign3A_1114 = arith.extui %sign3A_1113 : i1 to i32
          %sign3A_1115 = arith.subi %sign3A_1111, %sign3A_1114 : i32
          %ne3A_1116 = arith.cmpi ne, %sign3A_1108, %sign3A_1115 : i32
          %rem3A_1117 = arith.remsi %select_n3A_1097, %jit3A_1100 : i32
          %ne3A_1118 = arith.constant 0 : i32
          %ne3A_1119 = arith.cmpi ne, %rem3A_1117, %ne3A_1118 : i32
          %and3A_1120 = arith.andi %ne3A_1116, %ne3A_1119 : i1
          %sub3A_1121 = arith.constant 1 : i32
          %sub3A_1122 = arith.subi %div3A_1101, %sub3A_1121 : i32
          %select_n3A_1123 = arith.select %and3A_1120, %sub3A_1122, %div3A_1101 : i32
          %rem3A_1124 = arith.constant 32 : i32
          %rem3A_1125 = arith.remsi %select_n3A_1097, %rem3A_1124 : i32
          %mul3A_1126 = arith.constant 128 : i32
          %mul3A_1127 = arith.muli %rem3A_1099, %mul3A_1126 : i32
          %dma_wait3A_1128 = arith.constant 0 : i32
          %dma_wait3A_1129 = arith.constant 0 : i32
          %dma_wait3A_1130 = tpu.memref_slice %arg5[%rem3A_991, %dma_wait3A_1128, %dma_wait3A_1129] : memref<5x196x128xf32, #tpu.memory_space<vmem>> -> memref<1x196x128xf32, #tpu.memory_space<vmem>>
          %dma_wait3A_1131 = tpu.memref_squeeze %dma_wait3A_1130 : memref<1x196x128xf32, #tpu.memory_space<vmem>> -> memref<196x128xf32, #tpu.memory_space<vmem>>
          %dma_wait3A_1132 = arith.constant 0 : i32
          %dma_wait3A_1133 = tpu.memref_slice %arg4[%select_n3A_1123, %rem3A_1125, %dma_wait3A_1132, %mul3A_1127] : memref<8x32x196x768xf32, #tpu.memory_space<hbm>> -> memref<1x1x196x128xf32, #tpu.memory_space<hbm>>
          %dma_wait3A_1134 = tpu.memref_squeeze %dma_wait3A_1133 : memref<1x1x196x128xf32, #tpu.memory_space<hbm>> -> memref<196x128xf32, #tpu.memory_space<hbm>>
          %dma_wait3A_1135 = tpu.memref_slice %arg8[%rem3A_991] : memref<5x!tpu.dma_semaphore, #tpu.memory_space<semaphore_mem>> -> memref<1x!tpu.dma_semaphore, #tpu.memory_space<semaphore_mem>>
          %dma_wait3A_1136 = tpu.memref_squeeze %dma_wait3A_1135 : memref<1x!tpu.dma_semaphore, #tpu.memory_space<semaphore_mem>> -> memref<!tpu.dma_semaphore, #tpu.memory_space<semaphore_mem>>
          %dma_wait3A_1137 = arith.constant 0 : i32
          %dma_wait3A_1138 = tpu.memref_slice %arg4[%select_n3A_1123, %rem3A_1125, %dma_wait3A_1137, %mul3A_1127] : memref<8x32x196x768xf32, #tpu.memory_space<hbm>> -> memref<1x1x196x128xf32, #tpu.memory_space<hbm>>
          %dma_wait3A_1139 = tpu.memref_squeeze %dma_wait3A_1138 : memref<1x1x196x128xf32, #tpu.memory_space<hbm>> -> memref<196x128xf32, #tpu.memory_space<hbm>>
          %dma_wait3A_1140 = arith.constant 0 : i32
          %dma_wait3A_1141 = arith.constant 0 : i32
          %dma_wait3A_1142 = tpu.memref_slice %arg5[%rem3A_991, %dma_wait3A_1140, %dma_wait3A_1141] : memref<5x196x128xf32, #tpu.memory_space<vmem>> -> memref<1x196x128xf32, #tpu.memory_space<vmem>>
          %dma_wait3A_1143 = tpu.memref_squeeze %dma_wait3A_1142 : memref<1x196x128xf32, #tpu.memory_space<vmem>> -> memref<196x128xf32, #tpu.memory_space<vmem>>
          tpu.wait_dma2 semaphore(%dma_wait3A_1136 : memref<!tpu.dma_semaphore, #tpu.memory_space<semaphore_mem>>) src(%dma_wait3A_1143 : memref<196x128xf32, #tpu.memory_space<vmem>>) dst(%dma_wait3A_1139 : memref<196x128xf32, #tpu.memory_space<hbm>>)
        } else {
        }
        %add3A_1000 = arith.addi %mul3A_2, %add3A_989 : i32
        %jit3A_1001 = arith.constant 6 : i32
        %div3A_1002 = arith.divsi %add3A_1000, %jit3A_1001 : i32
        %sign3A_1003 = arith.constant 0 : i32
        %sign3A_1004 = arith.cmpi sgt, %add3A_1000, %sign3A_1003 : i32
        %sign3A_1005 = arith.extui %sign3A_1004 : i1 to i32
        %sign3A_1006 = arith.constant 0 : i32
        %sign3A_1007 = arith.cmpi slt, %add3A_1000, %sign3A_1006 : i32
        %sign3A_1008 = arith.extui %sign3A_1007 : i1 to i32
        %sign3A_1009 = arith.subi %sign3A_1005, %sign3A_1008 : i32
        %sign3A_1010 = arith.constant 0 : i32
        %sign3A_1011 = arith.cmpi sgt, %jit3A_1001, %sign3A_1010 : i32
        %sign3A_1012 = arith.extui %sign3A_1011 : i1 to i32
        %sign3A_1013 = arith.constant 0 : i32
        %sign3A_1014 = arith.cmpi slt, %jit3A_1001, %sign3A_1013 : i32
        %sign3A_1015 = arith.extui %sign3A_1014 : i1 to i32
        %sign3A_1016 = arith.subi %sign3A_1012, %sign3A_1015 : i32
        %ne3A_1017 = arith.cmpi ne, %sign3A_1009, %sign3A_1016 : i32
        %rem3A_1018 = arith.remsi %add3A_1000, %jit3A_1001 : i32
        %ne3A_1019 = arith.constant 0 : i32
        %ne3A_1020 = arith.cmpi ne, %rem3A_1018, %ne3A_1019 : i32
        %and3A_1021 = arith.andi %ne3A_1017, %ne3A_1020 : i1
        %sub3A_1022 = arith.constant 1 : i32
        %sub3A_1023 = arith.subi %div3A_1002, %sub3A_1022 : i32
        %select_n3A_1024 = arith.select %and3A_1021, %sub3A_1023, %div3A_1002 : i32
        %rem3A_1025 = arith.constant 6 : i32
        %rem3A_1026 = arith.remsi %add3A_1000, %rem3A_1025 : i32
        %jit3A_1027 = arith.constant 32 : i32
        %div3A_1028 = arith.divsi %select_n3A_1024, %jit3A_1027 : i32
        %sign3A_1029 = arith.constant 0 : i32
        %sign3A_1030 = arith.cmpi sgt, %select_n3A_1024, %sign3A_1029 : i32
        %sign3A_1031 = arith.extui %sign3A_1030 : i1 to i32
        %sign3A_1032 = arith.constant 0 : i32
        %sign3A_1033 = arith.cmpi slt, %select_n3A_1024, %sign3A_1032 : i32
        %sign3A_1034 = arith.extui %sign3A_1033 : i1 to i32
        %sign3A_1035 = arith.subi %sign3A_1031, %sign3A_1034 : i32
        %sign3A_1036 = arith.constant 0 : i32
        %sign3A_1037 = arith.cmpi sgt, %jit3A_1027, %sign3A_1036 : i32
        %sign3A_1038 = arith.extui %sign3A_1037 : i1 to i32
        %sign3A_1039 = arith.constant 0 : i32
        %sign3A_1040 = arith.cmpi slt, %jit3A_1027, %sign3A_1039 : i32
        %sign3A_1041 = arith.extui %sign3A_1040 : i1 to i32
        %sign3A_1042 = arith.subi %sign3A_1038, %sign3A_1041 : i32
        %ne3A_1043 = arith.cmpi ne, %sign3A_1035, %sign3A_1042 : i32
        %rem3A_1044 = arith.remsi %select_n3A_1024, %jit3A_1027 : i32
        %ne3A_1045 = arith.constant 0 : i32
        %ne3A_1046 = arith.cmpi ne, %rem3A_1044, %ne3A_1045 : i32
        %and3A_1047 = arith.andi %ne3A_1043, %ne3A_1046 : i1
        %sub3A_1048 = arith.constant 1 : i32
        %sub3A_1049 = arith.subi %div3A_1028, %sub3A_1048 : i32
        %select_n3A_1050 = arith.select %and3A_1047, %sub3A_1049, %div3A_1028 : i32
        %rem3A_1051 = arith.constant 32 : i32
        %rem3A_1052 = arith.remsi %select_n3A_1024, %rem3A_1051 : i32
        %mul3A_1053 = arith.constant 128 : i32
        %mul3A_1054 = arith.muli %rem3A_1026, %mul3A_1053 : i32
        %dma_start3A_1055 = arith.constant 0 : i32
        %dma_start3A_1056 = arith.constant 0 : i32
        %dma_start3A_1057 = tpu.memref_slice %arg5[%rem3A_991, %dma_start3A_1055, %dma_start3A_1056] : memref<5x196x128xf32, #tpu.memory_space<vmem>> -> memref<1x196x128xf32, #tpu.memory_space<vmem>>
        %dma_start3A_1058 = tpu.memref_squeeze %dma_start3A_1057 : memref<1x196x128xf32, #tpu.memory_space<vmem>> -> memref<196x128xf32, #tpu.memory_space<vmem>>
        %dma_start3A_1059 = arith.constant 0 : i32
        %dma_start3A_1060 = tpu.memref_slice %arg2[%select_n3A_1050, %rem3A_1052, %dma_start3A_1059, %mul3A_1054] : memref<8x32x196x768xf32, #tpu.memory_space<hbm>> -> memref<1x1x196x128xf32, #tpu.memory_space<hbm>>
        %dma_start3A_1061 = tpu.memref_squeeze %dma_start3A_1060 : memref<1x1x196x128xf32, #tpu.memory_space<hbm>> -> memref<196x128xf32, #tpu.memory_space<hbm>>
        %dma_start3A_1062 = tpu.memref_slice %arg7[%rem3A_991] : memref<5x!tpu.dma_semaphore, #tpu.memory_space<semaphore_mem>> -> memref<1x!tpu.dma_semaphore, #tpu.memory_space<semaphore_mem>>
        %dma_start3A_1063 = tpu.memref_squeeze %dma_start3A_1062 : memref<1x!tpu.dma_semaphore, #tpu.memory_space<semaphore_mem>> -> memref<!tpu.dma_semaphore, #tpu.memory_space<semaphore_mem>>
        %dma_start3A_1064 = arith.constant 0 : i32
        %dma_start3A_1065 = arith.constant 0 : i32
        %dma_start3A_1066 = tpu.memref_slice %arg5[%rem3A_991, %dma_start3A_1064, %dma_start3A_1065] : memref<5x196x128xf32, #tpu.memory_space<vmem>> -> memref<1x196x128xf32, #tpu.memory_space<vmem>>
        %dma_start3A_1067 = tpu.memref_squeeze %dma_start3A_1066 : memref<1x196x128xf32, #tpu.memory_space<vmem>> -> memref<196x128xf32, #tpu.memory_space<vmem>>
        %dma_start3A_1068 = arith.constant 0 : i32
        %dma_start3A_1069 = tpu.memref_slice %arg2[%select_n3A_1050, %rem3A_1052, %dma_start3A_1068, %mul3A_1054] : memref<8x32x196x768xf32, #tpu.memory_space<hbm>> -> memref<1x1x196x128xf32, #tpu.memory_space<hbm>>
        %dma_start3A_1070 = tpu.memref_squeeze %dma_start3A_1069 : memref<1x1x196x128xf32, #tpu.memory_space<hbm>> -> memref<196x128xf32, #tpu.memory_space<hbm>>
        tpu.enqueue_dma source(%dma_start3A_1070 : memref<196x128xf32, #tpu.memory_space<hbm>>) target(%dma_start3A_1067 : memref<196x128xf32, #tpu.memory_space<vmem>>) target_semaphore(%dma_start3A_1063 : memref<!tpu.dma_semaphore, #tpu.memory_space<semaphore_mem>>)
      } else {
      }
    }
    %scan3A_294 = arith.constant 48 : i32
    %rem3A_295 = arith.constant 43 : i32
    %rem3A_296 = arith.constant 5 : i32
    %rem3A_297 = arith.remsi %rem3A_295, %rem3A_296 : i32
    %add3A_298 = arith.constant 43 : i32
    %add3A_299 = arith.addi %mul3A_2, %add3A_298 : i32
    %jit3A_300 = arith.constant 6 : i32
    %div3A_301 = arith.divsi %add3A_299, %jit3A_300 : i32
    %sign3A_302 = arith.constant 0 : i32
    %sign3A_303 = arith.cmpi sgt, %add3A_299, %sign3A_302 : i32
    %sign3A_304 = arith.extui %sign3A_303 : i1 to i32
    %sign3A_305 = arith.constant 0 : i32
    %sign3A_306 = arith.cmpi slt, %add3A_299, %sign3A_305 : i32
    %sign3A_307 = arith.extui %sign3A_306 : i1 to i32
    %sign3A_308 = arith.subi %sign3A_304, %sign3A_307 : i32
    %sign3A_309 = arith.constant 0 : i32
    %sign3A_310 = arith.cmpi sgt, %jit3A_300, %sign3A_309 : i32
    %sign3A_311 = arith.extui %sign3A_310 : i1 to i32
    %sign3A_312 = arith.constant 0 : i32
    %sign3A_313 = arith.cmpi slt, %jit3A_300, %sign3A_312 : i32
    %sign3A_314 = arith.extui %sign3A_313 : i1 to i32
    %sign3A_315 = arith.subi %sign3A_311, %sign3A_314 : i32
    %ne3A_316 = arith.cmpi ne, %sign3A_308, %sign3A_315 : i32
    %rem3A_317 = arith.remsi %add3A_299, %jit3A_300 : i32
    %ne3A_318 = arith.constant 0 : i32
    %ne3A_319 = arith.cmpi ne, %rem3A_317, %ne3A_318 : i32
    %and3A_320 = arith.andi %ne3A_316, %ne3A_319 : i1
    %sub3A_321 = arith.constant 1 : i32
    %sub3A_322 = arith.subi %div3A_301, %sub3A_321 : i32
    %select_n3A_323 = arith.select %and3A_320, %sub3A_322, %div3A_301 : i32
    %rem3A_324 = arith.constant 6 : i32
    %rem3A_325 = arith.remsi %add3A_299, %rem3A_324 : i32
    %jit3A_326 = arith.constant 32 : i32
    %div3A_327 = arith.divsi %select_n3A_323, %jit3A_326 : i32
    %sign3A_328 = arith.constant 0 : i32
    %sign3A_329 = arith.cmpi sgt, %select_n3A_323, %sign3A_328 : i32
    %sign3A_330 = arith.extui %sign3A_329 : i1 to i32
    %sign3A_331 = arith.constant 0 : i32
    %sign3A_332 = arith.cmpi slt, %select_n3A_323, %sign3A_331 : i32
    %sign3A_333 = arith.extui %sign3A_332 : i1 to i32
    %sign3A_334 = arith.subi %sign3A_330, %sign3A_333 : i32
    %sign3A_335 = arith.constant 0 : i32
    %sign3A_336 = arith.cmpi sgt, %jit3A_326, %sign3A_335 : i32
    %sign3A_337 = arith.extui %sign3A_336 : i1 to i32
    %sign3A_338 = arith.constant 0 : i32
    %sign3A_339 = arith.cmpi slt, %jit3A_326, %sign3A_338 : i32
    %sign3A_340 = arith.extui %sign3A_339 : i1 to i32
    %sign3A_341 = arith.subi %sign3A_337, %sign3A_340 : i32
    %ne3A_342 = arith.cmpi ne, %sign3A_334, %sign3A_341 : i32
    %rem3A_343 = arith.remsi %select_n3A_323, %jit3A_326 : i32
    %ne3A_344 = arith.constant 0 : i32
    %ne3A_345 = arith.cmpi ne, %rem3A_343, %ne3A_344 : i32
    %and3A_346 = arith.andi %ne3A_342, %ne3A_345 : i1
    %sub3A_347 = arith.constant 1 : i32
    %sub3A_348 = arith.subi %div3A_327, %sub3A_347 : i32
    %select_n3A_349 = arith.select %and3A_346, %sub3A_348, %div3A_327 : i32
    %rem3A_350 = arith.constant 32 : i32
    %rem3A_351 = arith.remsi %select_n3A_323, %rem3A_350 : i32
    %mul3A_352 = arith.constant 128 : i32
    %mul3A_353 = arith.muli %rem3A_325, %mul3A_352 : i32
    %dma_wait3A = arith.constant 0 : i32
    %dma_wait3A_354 = arith.constant 0 : i32
    %dma_wait3A_355 = tpu.memref_slice %arg5[%rem3A_297, %dma_wait3A, %dma_wait3A_354] : memref<5x196x128xf32, #tpu.memory_space<vmem>> -> memref<1x196x128xf32, #tpu.memory_space<vmem>>
    %dma_wait3A_356 = tpu.memref_squeeze %dma_wait3A_355 : memref<1x196x128xf32, #tpu.memory_space<vmem>> -> memref<196x128xf32, #tpu.memory_space<vmem>>
    %dma_wait3A_357 = arith.constant 0 : i32
    %dma_wait3A_358 = tpu.memref_slice %arg4[%select_n3A_349, %rem3A_351, %dma_wait3A_357, %mul3A_353] : memref<8x32x196x768xf32, #tpu.memory_space<hbm>> -> memref<1x1x196x128xf32, #tpu.memory_space<hbm>>
    %dma_wait3A_359 = tpu.memref_squeeze %dma_wait3A_358 : memref<1x1x196x128xf32, #tpu.memory_space<hbm>> -> memref<196x128xf32, #tpu.memory_space<hbm>>
    %dma_wait3A_360 = tpu.memref_slice %arg8[%rem3A_297] : memref<5x!tpu.dma_semaphore, #tpu.memory_space<semaphore_mem>> -> memref<1x!tpu.dma_semaphore, #tpu.memory_space<semaphore_mem>>
    %dma_wait3A_361 = tpu.memref_squeeze %dma_wait3A_360 : memref<1x!tpu.dma_semaphore, #tpu.memory_space<semaphore_mem>> -> memref<!tpu.dma_semaphore, #tpu.memory_space<semaphore_mem>>
    %dma_wait3A_362 = arith.constant 0 : i32
    %dma_wait3A_363 = tpu.memref_slice %arg4[%select_n3A_349, %rem3A_351, %dma_wait3A_362, %mul3A_353] : memref<8x32x196x768xf32, #tpu.memory_space<hbm>> -> memref<1x1x196x128xf32, #tpu.memory_space<hbm>>
    %dma_wait3A_364 = tpu.memref_squeeze %dma_wait3A_363 : memref<1x1x196x128xf32, #tpu.memory_space<hbm>> -> memref<196x128xf32, #tpu.memory_space<hbm>>
    %dma_wait3A_365 = arith.constant 0 : i32
    %dma_wait3A_366 = arith.constant 0 : i32
    %dma_wait3A_367 = tpu.memref_slice %arg5[%rem3A_297, %dma_wait3A_365, %dma_wait3A_366] : memref<5x196x128xf32, #tpu.memory_space<vmem>> -> memref<1x196x128xf32, #tpu.memory_space<vmem>>
    %dma_wait3A_368 = tpu.memref_squeeze %dma_wait3A_367 : memref<1x196x128xf32, #tpu.memory_space<vmem>> -> memref<196x128xf32, #tpu.memory_space<vmem>>
    tpu.wait_dma2 semaphore(%dma_wait3A_361 : memref<!tpu.dma_semaphore, #tpu.memory_space<semaphore_mem>>) src(%dma_wait3A_368 : memref<196x128xf32, #tpu.memory_space<vmem>>) dst(%dma_wait3A_364 : memref<196x128xf32, #tpu.memory_space<hbm>>)
    %rem3A_369 = arith.constant 44 : i32
    %rem3A_370 = arith.constant 5 : i32
    %rem3A_371 = arith.remsi %rem3A_369, %rem3A_370 : i32
    %add3A_372 = arith.constant 44 : i32
    %add3A_373 = arith.addi %mul3A_2, %add3A_372 : i32
    %jit3A_374 = arith.constant 6 : i32
    %div3A_375 = arith.divsi %add3A_373, %jit3A_374 : i32
    %sign3A_376 = arith.constant 0 : i32
    %sign3A_377 = arith.cmpi sgt, %add3A_373, %sign3A_376 : i32
    %sign3A_378 = arith.extui %sign3A_377 : i1 to i32
    %sign3A_379 = arith.constant 0 : i32
    %sign3A_380 = arith.cmpi slt, %add3A_373, %sign3A_379 : i32
    %sign3A_381 = arith.extui %sign3A_380 : i1 to i32
    %sign3A_382 = arith.subi %sign3A_378, %sign3A_381 : i32
    %sign3A_383 = arith.constant 0 : i32
    %sign3A_384 = arith.cmpi sgt, %jit3A_374, %sign3A_383 : i32
    %sign3A_385 = arith.extui %sign3A_384 : i1 to i32
    %sign3A_386 = arith.constant 0 : i32
    %sign3A_387 = arith.cmpi slt, %jit3A_374, %sign3A_386 : i32
    %sign3A_388 = arith.extui %sign3A_387 : i1 to i32
    %sign3A_389 = arith.subi %sign3A_385, %sign3A_388 : i32
    %ne3A_390 = arith.cmpi ne, %sign3A_382, %sign3A_389 : i32
    %rem3A_391 = arith.remsi %add3A_373, %jit3A_374 : i32
    %ne3A_392 = arith.constant 0 : i32
    %ne3A_393 = arith.cmpi ne, %rem3A_391, %ne3A_392 : i32
    %and3A_394 = arith.andi %ne3A_390, %ne3A_393 : i1
    %sub3A_395 = arith.constant 1 : i32
    %sub3A_396 = arith.subi %div3A_375, %sub3A_395 : i32
    %select_n3A_397 = arith.select %and3A_394, %sub3A_396, %div3A_375 : i32
    %rem3A_398 = arith.constant 6 : i32
    %rem3A_399 = arith.remsi %add3A_373, %rem3A_398 : i32
    %jit3A_400 = arith.constant 32 : i32
    %div3A_401 = arith.divsi %select_n3A_397, %jit3A_400 : i32
    %sign3A_402 = arith.constant 0 : i32
    %sign3A_403 = arith.cmpi sgt, %select_n3A_397, %sign3A_402 : i32
    %sign3A_404 = arith.extui %sign3A_403 : i1 to i32
    %sign3A_405 = arith.constant 0 : i32
    %sign3A_406 = arith.cmpi slt, %select_n3A_397, %sign3A_405 : i32
    %sign3A_407 = arith.extui %sign3A_406 : i1 to i32
    %sign3A_408 = arith.subi %sign3A_404, %sign3A_407 : i32
    %sign3A_409 = arith.constant 0 : i32
    %sign3A_410 = arith.cmpi sgt, %jit3A_400, %sign3A_409 : i32
    %sign3A_411 = arith.extui %sign3A_410 : i1 to i32
    %sign3A_412 = arith.constant 0 : i32
    %sign3A_413 = arith.cmpi slt, %jit3A_400, %sign3A_412 : i32
    %sign3A_414 = arith.extui %sign3A_413 : i1 to i32
    %sign3A_415 = arith.subi %sign3A_411, %sign3A_414 : i32
    %ne3A_416 = arith.cmpi ne, %sign3A_408, %sign3A_415 : i32
    %rem3A_417 = arith.remsi %select_n3A_397, %jit3A_400 : i32
    %ne3A_418 = arith.constant 0 : i32
    %ne3A_419 = arith.cmpi ne, %rem3A_417, %ne3A_418 : i32
    %and3A_420 = arith.andi %ne3A_416, %ne3A_419 : i1
    %sub3A_421 = arith.constant 1 : i32
    %sub3A_422 = arith.subi %div3A_401, %sub3A_421 : i32
    %select_n3A_423 = arith.select %and3A_420, %sub3A_422, %div3A_401 : i32
    %rem3A_424 = arith.constant 32 : i32
    %rem3A_425 = arith.remsi %select_n3A_397, %rem3A_424 : i32
    %mul3A_426 = arith.constant 128 : i32
    %mul3A_427 = arith.muli %rem3A_399, %mul3A_426 : i32
    %dma_wait3A_428 = arith.constant 0 : i32
    %dma_wait3A_429 = arith.constant 0 : i32
    %dma_wait3A_430 = tpu.memref_slice %arg5[%rem3A_371, %dma_wait3A_428, %dma_wait3A_429] : memref<5x196x128xf32, #tpu.memory_space<vmem>> -> memref<1x196x128xf32, #tpu.memory_space<vmem>>
    %dma_wait3A_431 = tpu.memref_squeeze %dma_wait3A_430 : memref<1x196x128xf32, #tpu.memory_space<vmem>> -> memref<196x128xf32, #tpu.memory_space<vmem>>
    %dma_wait3A_432 = arith.constant 0 : i32
    %dma_wait3A_433 = tpu.memref_slice %arg4[%select_n3A_423, %rem3A_425, %dma_wait3A_432, %mul3A_427] : memref<8x32x196x768xf32, #tpu.memory_space<hbm>> -> memref<1x1x196x128xf32, #tpu.memory_space<hbm>>
    %dma_wait3A_434 = tpu.memref_squeeze %dma_wait3A_433 : memref<1x1x196x128xf32, #tpu.memory_space<hbm>> -> memref<196x128xf32, #tpu.memory_space<hbm>>
    %dma_wait3A_435 = tpu.memref_slice %arg8[%rem3A_371] : memref<5x!tpu.dma_semaphore, #tpu.memory_space<semaphore_mem>> -> memref<1x!tpu.dma_semaphore, #tpu.memory_space<semaphore_mem>>
    %dma_wait3A_436 = tpu.memref_squeeze %dma_wait3A_435 : memref<1x!tpu.dma_semaphore, #tpu.memory_space<semaphore_mem>> -> memref<!tpu.dma_semaphore, #tpu.memory_space<semaphore_mem>>
    %dma_wait3A_437 = arith.constant 0 : i32
    %dma_wait3A_438 = tpu.memref_slice %arg4[%select_n3A_423, %rem3A_425, %dma_wait3A_437, %mul3A_427] : memref<8x32x196x768xf32, #tpu.memory_space<hbm>> -> memref<1x1x196x128xf32, #tpu.memory_space<hbm>>
    %dma_wait3A_439 = tpu.memref_squeeze %dma_wait3A_438 : memref<1x1x196x128xf32, #tpu.memory_space<hbm>> -> memref<196x128xf32, #tpu.memory_space<hbm>>
    %dma_wait3A_440 = arith.constant 0 : i32
    %dma_wait3A_441 = arith.constant 0 : i32
    %dma_wait3A_442 = tpu.memref_slice %arg5[%rem3A_371, %dma_wait3A_440, %dma_wait3A_441] : memref<5x196x128xf32, #tpu.memory_space<vmem>> -> memref<1x196x128xf32, #tpu.memory_space<vmem>>
    %dma_wait3A_443 = tpu.memref_squeeze %dma_wait3A_442 : memref<1x196x128xf32, #tpu.memory_space<vmem>> -> memref<196x128xf32, #tpu.memory_space<vmem>>
    tpu.wait_dma2 semaphore(%dma_wait3A_436 : memref<!tpu.dma_semaphore, #tpu.memory_space<semaphore_mem>>) src(%dma_wait3A_443 : memref<196x128xf32, #tpu.memory_space<vmem>>) dst(%dma_wait3A_439 : memref<196x128xf32, #tpu.memory_space<hbm>>)
    %rem3A_444 = arith.constant 45 : i32
    %rem3A_445 = arith.constant 5 : i32
    %rem3A_446 = arith.remsi %rem3A_444, %rem3A_445 : i32
    %add3A_447 = arith.constant 45 : i32
    %add3A_448 = arith.addi %mul3A_2, %add3A_447 : i32
    %jit3A_449 = arith.constant 6 : i32
    %div3A_450 = arith.divsi %add3A_448, %jit3A_449 : i32
    %sign3A_451 = arith.constant 0 : i32
    %sign3A_452 = arith.cmpi sgt, %add3A_448, %sign3A_451 : i32
    %sign3A_453 = arith.extui %sign3A_452 : i1 to i32
    %sign3A_454 = arith.constant 0 : i32
    %sign3A_455 = arith.cmpi slt, %add3A_448, %sign3A_454 : i32
    %sign3A_456 = arith.extui %sign3A_455 : i1 to i32
    %sign3A_457 = arith.subi %sign3A_453, %sign3A_456 : i32
    %sign3A_458 = arith.constant 0 : i32
    %sign3A_459 = arith.cmpi sgt, %jit3A_449, %sign3A_458 : i32
    %sign3A_460 = arith.extui %sign3A_459 : i1 to i32
    %sign3A_461 = arith.constant 0 : i32
    %sign3A_462 = arith.cmpi slt, %jit3A_449, %sign3A_461 : i32
    %sign3A_463 = arith.extui %sign3A_462 : i1 to i32
    %sign3A_464 = arith.subi %sign3A_460, %sign3A_463 : i32
    %ne3A_465 = arith.cmpi ne, %sign3A_457, %sign3A_464 : i32
    %rem3A_466 = arith.remsi %add3A_448, %jit3A_449 : i32
    %ne3A_467 = arith.constant 0 : i32
    %ne3A_468 = arith.cmpi ne, %rem3A_466, %ne3A_467 : i32
    %and3A_469 = arith.andi %ne3A_465, %ne3A_468 : i1
    %sub3A_470 = arith.constant 1 : i32
    %sub3A_471 = arith.subi %div3A_450, %sub3A_470 : i32
    %select_n3A_472 = arith.select %and3A_469, %sub3A_471, %div3A_450 : i32
    %rem3A_473 = arith.constant 6 : i32
    %rem3A_474 = arith.remsi %add3A_448, %rem3A_473 : i32
    %jit3A_475 = arith.constant 32 : i32
    %div3A_476 = arith.divsi %select_n3A_472, %jit3A_475 : i32
    %sign3A_477 = arith.constant 0 : i32
    %sign3A_478 = arith.cmpi sgt, %select_n3A_472, %sign3A_477 : i32
    %sign3A_479 = arith.extui %sign3A_478 : i1 to i32
    %sign3A_480 = arith.constant 0 : i32
    %sign3A_481 = arith.cmpi slt, %select_n3A_472, %sign3A_480 : i32
    %sign3A_482 = arith.extui %sign3A_481 : i1 to i32
    %sign3A_483 = arith.subi %sign3A_479, %sign3A_482 : i32
    %sign3A_484 = arith.constant 0 : i32
    %sign3A_485 = arith.cmpi sgt, %jit3A_475, %sign3A_484 : i32
    %sign3A_486 = arith.extui %sign3A_485 : i1 to i32
    %sign3A_487 = arith.constant 0 : i32
    %sign3A_488 = arith.cmpi slt, %jit3A_475, %sign3A_487 : i32
    %sign3A_489 = arith.extui %sign3A_488 : i1 to i32
    %sign3A_490 = arith.subi %sign3A_486, %sign3A_489 : i32
    %ne3A_491 = arith.cmpi ne, %sign3A_483, %sign3A_490 : i32
    %rem3A_492 = arith.remsi %select_n3A_472, %jit3A_475 : i32
    %ne3A_493 = arith.constant 0 : i32
    %ne3A_494 = arith.cmpi ne, %rem3A_492, %ne3A_493 : i32
    %and3A_495 = arith.andi %ne3A_491, %ne3A_494 : i1
    %sub3A_496 = arith.constant 1 : i32
    %sub3A_497 = arith.subi %div3A_476, %sub3A_496 : i32
    %select_n3A_498 = arith.select %and3A_495, %sub3A_497, %div3A_476 : i32
    %rem3A_499 = arith.constant 32 : i32
    %rem3A_500 = arith.remsi %select_n3A_472, %rem3A_499 : i32
    %mul3A_501 = arith.constant 128 : i32
    %mul3A_502 = arith.muli %rem3A_474, %mul3A_501 : i32
    %dma_wait3A_503 = arith.constant 0 : i32
    %dma_wait3A_504 = arith.constant 0 : i32
    %dma_wait3A_505 = tpu.memref_slice %arg5[%rem3A_446, %dma_wait3A_503, %dma_wait3A_504] : memref<5x196x128xf32, #tpu.memory_space<vmem>> -> memref<1x196x128xf32, #tpu.memory_space<vmem>>
    %dma_wait3A_506 = tpu.memref_squeeze %dma_wait3A_505 : memref<1x196x128xf32, #tpu.memory_space<vmem>> -> memref<196x128xf32, #tpu.memory_space<vmem>>
    %dma_wait3A_507 = arith.constant 0 : i32
    %dma_wait3A_508 = tpu.memref_slice %arg4[%select_n3A_498, %rem3A_500, %dma_wait3A_507, %mul3A_502] : memref<8x32x196x768xf32, #tpu.memory_space<hbm>> -> memref<1x1x196x128xf32, #tpu.memory_space<hbm>>
    %dma_wait3A_509 = tpu.memref_squeeze %dma_wait3A_508 : memref<1x1x196x128xf32, #tpu.memory_space<hbm>> -> memref<196x128xf32, #tpu.memory_space<hbm>>
    %dma_wait3A_510 = tpu.memref_slice %arg8[%rem3A_446] : memref<5x!tpu.dma_semaphore, #tpu.memory_space<semaphore_mem>> -> memref<1x!tpu.dma_semaphore, #tpu.memory_space<semaphore_mem>>
    %dma_wait3A_511 = tpu.memref_squeeze %dma_wait3A_510 : memref<1x!tpu.dma_semaphore, #tpu.memory_space<semaphore_mem>> -> memref<!tpu.dma_semaphore, #tpu.memory_space<semaphore_mem>>
    %dma_wait3A_512 = arith.constant 0 : i32
    %dma_wait3A_513 = tpu.memref_slice %arg4[%select_n3A_498, %rem3A_500, %dma_wait3A_512, %mul3A_502] : memref<8x32x196x768xf32, #tpu.memory_space<hbm>> -> memref<1x1x196x128xf32, #tpu.memory_space<hbm>>
    %dma_wait3A_514 = tpu.memref_squeeze %dma_wait3A_513 : memref<1x1x196x128xf32, #tpu.memory_space<hbm>> -> memref<196x128xf32, #tpu.memory_space<hbm>>
    %dma_wait3A_515 = arith.constant 0 : i32
    %dma_wait3A_516 = arith.constant 0 : i32
    %dma_wait3A_517 = tpu.memref_slice %arg5[%rem3A_446, %dma_wait3A_515, %dma_wait3A_516] : memref<5x196x128xf32, #tpu.memory_space<vmem>> -> memref<1x196x128xf32, #tpu.memory_space<vmem>>
    %dma_wait3A_518 = tpu.memref_squeeze %dma_wait3A_517 : memref<1x196x128xf32, #tpu.memory_space<vmem>> -> memref<196x128xf32, #tpu.memory_space<vmem>>
    tpu.wait_dma2 semaphore(%dma_wait3A_511 : memref<!tpu.dma_semaphore, #tpu.memory_space<semaphore_mem>>) src(%dma_wait3A_518 : memref<196x128xf32, #tpu.memory_space<vmem>>) dst(%dma_wait3A_514 : memref<196x128xf32, #tpu.memory_space<hbm>>)
    %rem3A_519 = arith.constant 46 : i32
    %rem3A_520 = arith.constant 5 : i32
    %rem3A_521 = arith.remsi %rem3A_519, %rem3A_520 : i32
    %add3A_522 = arith.constant 46 : i32
    %add3A_523 = arith.addi %mul3A_2, %add3A_522 : i32
    %jit3A_524 = arith.constant 6 : i32
    %div3A_525 = arith.divsi %add3A_523, %jit3A_524 : i32
    %sign3A_526 = arith.constant 0 : i32
    %sign3A_527 = arith.cmpi sgt, %add3A_523, %sign3A_526 : i32
    %sign3A_528 = arith.extui %sign3A_527 : i1 to i32
    %sign3A_529 = arith.constant 0 : i32
    %sign3A_530 = arith.cmpi slt, %add3A_523, %sign3A_529 : i32
    %sign3A_531 = arith.extui %sign3A_530 : i1 to i32
    %sign3A_532 = arith.subi %sign3A_528, %sign3A_531 : i32
    %sign3A_533 = arith.constant 0 : i32
    %sign3A_534 = arith.cmpi sgt, %jit3A_524, %sign3A_533 : i32
    %sign3A_535 = arith.extui %sign3A_534 : i1 to i32
    %sign3A_536 = arith.constant 0 : i32
    %sign3A_537 = arith.cmpi slt, %jit3A_524, %sign3A_536 : i32
    %sign3A_538 = arith.extui %sign3A_537 : i1 to i32
    %sign3A_539 = arith.subi %sign3A_535, %sign3A_538 : i32
    %ne3A_540 = arith.cmpi ne, %sign3A_532, %sign3A_539 : i32
    %rem3A_541 = arith.remsi %add3A_523, %jit3A_524 : i32
    %ne3A_542 = arith.constant 0 : i32
    %ne3A_543 = arith.cmpi ne, %rem3A_541, %ne3A_542 : i32
    %and3A_544 = arith.andi %ne3A_540, %ne3A_543 : i1
    %sub3A_545 = arith.constant 1 : i32
    %sub3A_546 = arith.subi %div3A_525, %sub3A_545 : i32
    %select_n3A_547 = arith.select %and3A_544, %sub3A_546, %div3A_525 : i32
    %rem3A_548 = arith.constant 6 : i32
    %rem3A_549 = arith.remsi %add3A_523, %rem3A_548 : i32
    %jit3A_550 = arith.constant 32 : i32
    %div3A_551 = arith.divsi %select_n3A_547, %jit3A_550 : i32
    %sign3A_552 = arith.constant 0 : i32
    %sign3A_553 = arith.cmpi sgt, %select_n3A_547, %sign3A_552 : i32
    %sign3A_554 = arith.extui %sign3A_553 : i1 to i32
    %sign3A_555 = arith.constant 0 : i32
    %sign3A_556 = arith.cmpi slt, %select_n3A_547, %sign3A_555 : i32
    %sign3A_557 = arith.extui %sign3A_556 : i1 to i32
    %sign3A_558 = arith.subi %sign3A_554, %sign3A_557 : i32
    %sign3A_559 = arith.constant 0 : i32
    %sign3A_560 = arith.cmpi sgt, %jit3A_550, %sign3A_559 : i32
    %sign3A_561 = arith.extui %sign3A_560 : i1 to i32
    %sign3A_562 = arith.constant 0 : i32
    %sign3A_563 = arith.cmpi slt, %jit3A_550, %sign3A_562 : i32
    %sign3A_564 = arith.extui %sign3A_563 : i1 to i32
    %sign3A_565 = arith.subi %sign3A_561, %sign3A_564 : i32
    %ne3A_566 = arith.cmpi ne, %sign3A_558, %sign3A_565 : i32
    %rem3A_567 = arith.remsi %select_n3A_547, %jit3A_550 : i32
    %ne3A_568 = arith.constant 0 : i32
    %ne3A_569 = arith.cmpi ne, %rem3A_567, %ne3A_568 : i32
    %and3A_570 = arith.andi %ne3A_566, %ne3A_569 : i1
    %sub3A_571 = arith.constant 1 : i32
    %sub3A_572 = arith.subi %div3A_551, %sub3A_571 : i32
    %select_n3A_573 = arith.select %and3A_570, %sub3A_572, %div3A_551 : i32
    %rem3A_574 = arith.constant 32 : i32
    %rem3A_575 = arith.remsi %select_n3A_547, %rem3A_574 : i32
    %mul3A_576 = arith.constant 128 : i32
    %mul3A_577 = arith.muli %rem3A_549, %mul3A_576 : i32
    %dma_wait3A_578 = arith.constant 0 : i32
    %dma_wait3A_579 = arith.constant 0 : i32
    %dma_wait3A_580 = tpu.memref_slice %arg5[%rem3A_521, %dma_wait3A_578, %dma_wait3A_579] : memref<5x196x128xf32, #tpu.memory_space<vmem>> -> memref<1x196x128xf32, #tpu.memory_space<vmem>>
    %dma_wait3A_581 = tpu.memref_squeeze %dma_wait3A_580 : memref<1x196x128xf32, #tpu.memory_space<vmem>> -> memref<196x128xf32, #tpu.memory_space<vmem>>
    %dma_wait3A_582 = arith.constant 0 : i32
    %dma_wait3A_583 = tpu.memref_slice %arg4[%select_n3A_573, %rem3A_575, %dma_wait3A_582, %mul3A_577] : memref<8x32x196x768xf32, #tpu.memory_space<hbm>> -> memref<1x1x196x128xf32, #tpu.memory_space<hbm>>
    %dma_wait3A_584 = tpu.memref_squeeze %dma_wait3A_583 : memref<1x1x196x128xf32, #tpu.memory_space<hbm>> -> memref<196x128xf32, #tpu.memory_space<hbm>>
    %dma_wait3A_585 = tpu.memref_slice %arg8[%rem3A_521] : memref<5x!tpu.dma_semaphore, #tpu.memory_space<semaphore_mem>> -> memref<1x!tpu.dma_semaphore, #tpu.memory_space<semaphore_mem>>
    %dma_wait3A_586 = tpu.memref_squeeze %dma_wait3A_585 : memref<1x!tpu.dma_semaphore, #tpu.memory_space<semaphore_mem>> -> memref<!tpu.dma_semaphore, #tpu.memory_space<semaphore_mem>>
    %dma_wait3A_587 = arith.constant 0 : i32
    %dma_wait3A_588 = tpu.memref_slice %arg4[%select_n3A_573, %rem3A_575, %dma_wait3A_587, %mul3A_577] : memref<8x32x196x768xf32, #tpu.memory_space<hbm>> -> memref<1x1x196x128xf32, #tpu.memory_space<hbm>>
    %dma_wait3A_589 = tpu.memref_squeeze %dma_wait3A_588 : memref<1x1x196x128xf32, #tpu.memory_space<hbm>> -> memref<196x128xf32, #tpu.memory_space<hbm>>
    %dma_wait3A_590 = arith.constant 0 : i32
    %dma_wait3A_591 = arith.constant 0 : i32
    %dma_wait3A_592 = tpu.memref_slice %arg5[%rem3A_521, %dma_wait3A_590, %dma_wait3A_591] : memref<5x196x128xf32, #tpu.memory_space<vmem>> -> memref<1x196x128xf32, #tpu.memory_space<vmem>>
    %dma_wait3A_593 = tpu.memref_squeeze %dma_wait3A_592 : memref<1x196x128xf32, #tpu.memory_space<vmem>> -> memref<196x128xf32, #tpu.memory_space<vmem>>
    tpu.wait_dma2 semaphore(%dma_wait3A_586 : memref<!tpu.dma_semaphore, #tpu.memory_space<semaphore_mem>>) src(%dma_wait3A_593 : memref<196x128xf32, #tpu.memory_space<vmem>>) dst(%dma_wait3A_589 : memref<196x128xf32, #tpu.memory_space<hbm>>)
    %rem3A_594 = arith.constant 47 : i32
    %rem3A_595 = arith.constant 5 : i32
    %rem3A_596 = arith.remsi %rem3A_594, %rem3A_595 : i32
    %add3A_597 = arith.constant 47 : i32
    %add3A_598 = arith.addi %mul3A_2, %add3A_597 : i32
    %jit3A_599 = arith.constant 6 : i32
    %div3A_600 = arith.divsi %add3A_598, %jit3A_599 : i32
    %sign3A_601 = arith.constant 0 : i32
    %sign3A_602 = arith.cmpi sgt, %add3A_598, %sign3A_601 : i32
    %sign3A_603 = arith.extui %sign3A_602 : i1 to i32
    %sign3A_604 = arith.constant 0 : i32
    %sign3A_605 = arith.cmpi slt, %add3A_598, %sign3A_604 : i32
    %sign3A_606 = arith.extui %sign3A_605 : i1 to i32
    %sign3A_607 = arith.subi %sign3A_603, %sign3A_606 : i32
    %sign3A_608 = arith.constant 0 : i32
    %sign3A_609 = arith.cmpi sgt, %jit3A_599, %sign3A_608 : i32
    %sign3A_610 = arith.extui %sign3A_609 : i1 to i32
    %sign3A_611 = arith.constant 0 : i32
    %sign3A_612 = arith.cmpi slt, %jit3A_599, %sign3A_611 : i32
    %sign3A_613 = arith.extui %sign3A_612 : i1 to i32
    %sign3A_614 = arith.subi %sign3A_610, %sign3A_613 : i32
    %ne3A_615 = arith.cmpi ne, %sign3A_607, %sign3A_614 : i32
    %rem3A_616 = arith.remsi %add3A_598, %jit3A_599 : i32
    %ne3A_617 = arith.constant 0 : i32
    %ne3A_618 = arith.cmpi ne, %rem3A_616, %ne3A_617 : i32
    %and3A_619 = arith.andi %ne3A_615, %ne3A_618 : i1
    %sub3A_620 = arith.constant 1 : i32
    %sub3A_621 = arith.subi %div3A_600, %sub3A_620 : i32
    %select_n3A_622 = arith.select %and3A_619, %sub3A_621, %div3A_600 : i32
    %rem3A_623 = arith.constant 6 : i32
    %rem3A_624 = arith.remsi %add3A_598, %rem3A_623 : i32
    %jit3A_625 = arith.constant 32 : i32
    %div3A_626 = arith.divsi %select_n3A_622, %jit3A_625 : i32
    %sign3A_627 = arith.constant 0 : i32
    %sign3A_628 = arith.cmpi sgt, %select_n3A_622, %sign3A_627 : i32
    %sign3A_629 = arith.extui %sign3A_628 : i1 to i32
    %sign3A_630 = arith.constant 0 : i32
    %sign3A_631 = arith.cmpi slt, %select_n3A_622, %sign3A_630 : i32
    %sign3A_632 = arith.extui %sign3A_631 : i1 to i32
    %sign3A_633 = arith.subi %sign3A_629, %sign3A_632 : i32
    %sign3A_634 = arith.constant 0 : i32
    %sign3A_635 = arith.cmpi sgt, %jit3A_625, %sign3A_634 : i32
    %sign3A_636 = arith.extui %sign3A_635 : i1 to i32
    %sign3A_637 = arith.constant 0 : i32
    %sign3A_638 = arith.cmpi slt, %jit3A_625, %sign3A_637 : i32
    %sign3A_639 = arith.extui %sign3A_638 : i1 to i32
    %sign3A_640 = arith.subi %sign3A_636, %sign3A_639 : i32
    %ne3A_641 = arith.cmpi ne, %sign3A_633, %sign3A_640 : i32
    %rem3A_642 = arith.remsi %select_n3A_622, %jit3A_625 : i32
    %ne3A_643 = arith.constant 0 : i32
    %ne3A_644 = arith.cmpi ne, %rem3A_642, %ne3A_643 : i32
    %and3A_645 = arith.andi %ne3A_641, %ne3A_644 : i1
    %sub3A_646 = arith.constant 1 : i32
    %sub3A_647 = arith.subi %div3A_626, %sub3A_646 : i32
    %select_n3A_648 = arith.select %and3A_645, %sub3A_647, %div3A_626 : i32
    %rem3A_649 = arith.constant 32 : i32
    %rem3A_650 = arith.remsi %select_n3A_622, %rem3A_649 : i32
    %mul3A_651 = arith.constant 128 : i32
    %mul3A_652 = arith.muli %rem3A_624, %mul3A_651 : i32
    %dma_wait3A_653 = arith.constant 0 : i32
    %dma_wait3A_654 = arith.constant 0 : i32
    %dma_wait3A_655 = tpu.memref_slice %arg5[%rem3A_596, %dma_wait3A_653, %dma_wait3A_654] : memref<5x196x128xf32, #tpu.memory_space<vmem>> -> memref<1x196x128xf32, #tpu.memory_space<vmem>>
    %dma_wait3A_656 = tpu.memref_squeeze %dma_wait3A_655 : memref<1x196x128xf32, #tpu.memory_space<vmem>> -> memref<196x128xf32, #tpu.memory_space<vmem>>
    %dma_wait3A_657 = arith.constant 0 : i32
    %dma_wait3A_658 = tpu.memref_slice %arg4[%select_n3A_648, %rem3A_650, %dma_wait3A_657, %mul3A_652] : memref<8x32x196x768xf32, #tpu.memory_space<hbm>> -> memref<1x1x196x128xf32, #tpu.memory_space<hbm>>
    %dma_wait3A_659 = tpu.memref_squeeze %dma_wait3A_658 : memref<1x1x196x128xf32, #tpu.memory_space<hbm>> -> memref<196x128xf32, #tpu.memory_space<hbm>>
    %dma_wait3A_660 = tpu.memref_slice %arg8[%rem3A_596] : memref<5x!tpu.dma_semaphore, #tpu.memory_space<semaphore_mem>> -> memref<1x!tpu.dma_semaphore, #tpu.memory_space<semaphore_mem>>
    %dma_wait3A_661 = tpu.memref_squeeze %dma_wait3A_660 : memref<1x!tpu.dma_semaphore, #tpu.memory_space<semaphore_mem>> -> memref<!tpu.dma_semaphore, #tpu.memory_space<semaphore_mem>>
    %dma_wait3A_662 = arith.constant 0 : i32
    %dma_wait3A_663 = tpu.memref_slice %arg4[%select_n3A_648, %rem3A_650, %dma_wait3A_662, %mul3A_652] : memref<8x32x196x768xf32, #tpu.memory_space<hbm>> -> memref<1x1x196x128xf32, #tpu.memory_space<hbm>>
    %dma_wait3A_664 = tpu.memref_squeeze %dma_wait3A_663 : memref<1x1x196x128xf32, #tpu.memory_space<hbm>> -> memref<196x128xf32, #tpu.memory_space<hbm>>
    %dma_wait3A_665 = arith.constant 0 : i32
    %dma_wait3A_666 = arith.constant 0 : i32
    %dma_wait3A_667 = tpu.memref_slice %arg5[%rem3A_596, %dma_wait3A_665, %dma_wait3A_666] : memref<5x196x128xf32, #tpu.memory_space<vmem>> -> memref<1x196x128xf32, #tpu.memory_space<vmem>>
    %dma_wait3A_668 = tpu.memref_squeeze %dma_wait3A_667 : memref<1x196x128xf32, #tpu.memory_space<vmem>> -> memref<196x128xf32, #tpu.memory_space<vmem>>
    tpu.wait_dma2 semaphore(%dma_wait3A_661 : memref<!tpu.dma_semaphore, #tpu.memory_space<semaphore_mem>>) src(%dma_wait3A_668 : memref<196x128xf32, #tpu.memory_space<vmem>>) dst(%dma_wait3A_664 : memref<196x128xf32, #tpu.memory_space<hbm>>)
    return
  }
}

</mosaic_0001>

<sc_bundles>
// kernel: kernel.3.cloned.1.call-start
scs
__scs_entry_jumppad:
0x0: {  	(pc) =	sbr.rel $0x88, $3  }
0x1: {  	(tag) =	ssettag $0x0;
	lr =	simm.s32 $0x1  }
0x2: {  	[smem:$0x3F9F] =	sst lr;
	_ =	strace $0xD0000000  }
0x3: {  	_ = 	snop  }
0x4: {  	_ = 	snop  }
0x5: {  	_ = 	snop  }
0x6: {  	_ = 	snop  }
0x7: {  	_ = 	snop  }
__scs_overlays_trampoline_lowered:
0x8: {  	[smem:$0x3FAE] =	sst s0  }
0x9: {  	[smem:$0x3FAF] =	sst s1  }
0xa: {  	[smem:$0x3FB0] =	sst s2  }
0xb: {  	[smem:$0x3FB1] =	sst s3  }
0xc: {  	[smem:$0x3FB2] =	sst s4  }
0xd: {  	[smem:$0x3FB3] =	sst s5  }
0xe: {  	[smem:$0x3FB4] =	sst s6  }
0xf: {  	[smem:$0x3FB5] =	sst s7  }
0x10: {  	[smem:$0x3FB6] =	sst s8  }
0x11: {  	[smem:$0x3FB7] =	sst s9;
	s0 =	simm.s32 @!p0 $0x0  }
0x12: {  	s1 =	sld [smem:$0x3F9D];
	s0 =	simm.s32 @p0 $0x1  }
0x13: {  	[smem:$0x3FB8] =	sst s0;
	s0 =	simm.s32 @!p1 $0x0  }
0x14: {  	s2 =	sld [smem:$0x3F9C];
	s0 =	simm.s32 @p1 $0x1  }
0x15: {  	[smem:$0x3FB9] =	sst s0;
	s0 =	simm.s32 @!p2 $0x0  }
0x16: {  	s3 =	sld [smem:$0x3FDB];
	s0 =	simm.s32 @p2 $0x1  }
0x17: {  	s4 =	simm.s32 $0x1BF5;
	[smem:$0x3FBB] =	sst s0  }
0x18: {  	s0 =	sld [smem:$0x3F9E];
	_ =	swait.ge [sflag:s4], $0x0  }
0x19: {  	s7 =	sld [smem:$0x3F9F]  }
0x1a: {  	s8 =	sadd.s32 $0xFFFFE003, lr  }
0x1b: {  	s9 =	sadd.s32 $0xFFFFFEF7, lr;
	s5 =	simm.s32 $0xFFFFFFFF;
	p2 =	slt.u32 s8, $0xFFFFF086  }
0x1c: {  	p1 =	slt.u32 s9, $0xF7A;
	s5 =	simm.s32 @!p2 $0x0  }
0x1d: {  	s5 =	simm.s32 @p1 $0x1;
	p0 =	seq.s32 s7, s2  }
0x1e: {  	s7 =	smul.u32 @!p0 $0xF7A, s2;
	p2 =	seq.s32 @!p0 s5, $0x0  }
0x1f: {  	s9 =	smul.u32 $0xF7A, s1;
	s8 =	simm.s32 @!p0 $0x1BF5;
	p2 =	por !p2, p0  }
0x20: {  	[sflag:s8] =	ssyncset.s32 @!p0 $0xFFFFF086;
	s6 =	sadd.s32 @!p0 s3, s7;
	s7 =	simm.s32 @!p0 $0x108  }
0x21: {  	s3 =	sadd.s32 s3, s9;
	s6 =	sadd.s32 @!p0 $0x88, s6;
	s7 =	simm.s32 @p2 $0x1082  }
0x22: {  	[simem:s7], [sflag:s8] =	dma.local @!p0 [hbm:s6], $0xF7A  }
0x23: {  	s9 =	sor.u32 $0xD0000000, s2;
	s6 =	simm.s32 $0x108;
	_ =	swait.ge @!p0 [sflag:s8], $0x0  }
0x24: {  	s3 =	sadd.s32 $0x88, s3;
	s6 =	simm.s32 @!p1 $0x1082;
	[sflag:s4] =	ssyncset.s32 $0xFFFFF086  }
0x25: {  	[simem:s6], [sflag:s4] =	dma.local [hbm:s3], $0xF7A  }
0x26: {  	[smem:$0x3F9F] =	sst s1;
	(tag) =	ssettag s2;
	_ =	strace s9  }
0x27: {  	s1 =	sld [smem:$0x3FAF]  }
0x28: {  	s2 =	sld [smem:$0x3FB0]  }
0x29: {  	s4 =	sld [smem:$0x3FB2]  }
0x2a: {  	p0 =	seq.s32 s5, $0x0;
	s5 =	sld [smem:$0x3FB3]  }
0x2b: {  	s6 =	sld [smem:$0x3FB4]  }
0x2c: {  	s7 =	sld [smem:$0x3FB5]  }
0x2d: {  	s3 =	simm.s32 $0x108;
	s8 =	sld [smem:$0x3FB6]  }
0x2e: {  	s3 =	simm.s32 @!p0 $0x1082;
	s9 =	sld [smem:$0x3FB7]  }
0x2f: {  	lr =	sadd.s32 s0, s3;
	s0 =	sld [smem:$0x3FAE]  }
0x30: {  	s3 =	sld [smem:$0x3FB1]  }
0x31: {  	[smem:$0x3FBA] =	sst s10  }
0x32: {  	s10 =	sld [smem:$0x3FB8];
	_ =	sdelay $0x3  }
0x33: {  	p0 =	seq.s32 s10, $0x1;
	s10 =	sld [smem:$0x3FBA];
	_ =	sdelay $0x3  }
0x34: {  	[smem:$0x3FBA] =	sst s10  }
0x35: {  	s10 =	sld [smem:$0x3FB9];
	_ =	sdelay $0x3  }
0x36: {  	p1 =	seq.s32 s10, $0x1;
	s10 =	sld [smem:$0x3FBA];
	_ =	sdelay $0x3  }
0x37: {  	[smem:$0x3FBA] =	sst s10  }
0x38: {  	s10 =	sld [smem:$0x3FBB]  }
0x39: {  	_ = 	snop;
	(pc) =	sbr.ind lr, $3  }
0x3a: {  	_ = 	snop  }
0x3b: {  	_ = 	snop  }
0x3c: {  	p2 =	seq.s32 s10, $0x1;
	s10 =	sld [smem:$0x3FBA]  }
0x3d: {  	_ =	shalt  }
0x3e: {  	_ =	shalt  }
0x3f: {  	_ =	shalt  }
0x40: {  	_ =	shalt  }
0x41: {  	_ =	shalt  }
0x42: {  	_ =	shalt  }
0x43: {  	_ =	shalt  }
0x44: {  	_ =	shalt  }
0x45: {  	_ =	shalt  }
0x46: {  	_ =	shalt  }
0x47: {  	_ =	shalt  }
0x48: {  	_ =	shalt  }
0x49: {  	_ =	shalt  }
0x4a: {  	_ =	shalt  }
0x4b: {  	_ =	shalt  }
0x4c: {  	_ =	shalt  }
0x4d: {  	_ =	shalt  }
0x4e: {  	_ =	shalt  }
0x4f: {  	_ =	shalt  }
0x50: {  	_ =	shalt  }
0x51: {  	_ =	shalt  }
0x52: {  	_ =	shalt  }
0x53: {  	_ =	shalt  }
0x54: {  	_ =	shalt  }
0x55: {  	_ =	shalt  }
0x56: {  	_ =	shalt  }
0x57: {  	_ =	shalt  }
0x58: {  	_ =	shalt  }
0x59: {  	_ =	shalt  }
0x5a: {  	_ =	shalt  }
0x5b: {  	_ =	shalt  }
0x5c: {  	_ =	shalt  }
0x5d: {  	_ =	shalt  }
0x5e: {  	_ =	shalt  }
0x5f: {  	_ =	shalt  }
0x60: {  	_ =	shalt  }
0x61: {  	_ =	shalt  }
0x62: {  	_ =	shalt  }
0x63: {  	_ =	shalt  }
0x64: {  	_ =	shalt  }
0x65: {  	_ =	shalt  }
0x66: {  	_ =	shalt  }
0x67: {  	_ =	shalt  }
0x68: {  	_ =	shalt  }
0x69: {  	_ =	shalt  }
0x6a: {  	_ =	shalt  }
0x6b: {  	_ =	shalt  }
0x6c: {  	_ =	shalt  }
0x6d: {  	_ =	shalt  }
0x6e: {  	_ =	shalt  }
0x6f: {  	_ =	shalt  }
0x70: {  	_ =	shalt  }
0x71: {  	_ =	shalt  }
0x72: {  	_ =	shalt  }
0x73: {  	_ =	shalt  }
0x74: {  	_ =	shalt  }
0x75: {  	_ =	shalt  }
0x76: {  	_ =	shalt  }
0x77: {  	_ =	shalt  }
0x78: {  	_ =	shalt  }
0x79: {  	_ =	shalt  }
0x7a: {  	_ =	shalt  }
0x7b: {  	_ =	shalt  }
0x7c: {  	_ =	shalt  }
0x7d: {  	_ =	shalt  }
0x7e: {  	_ =	shalt  }
0x7f: {  	_ =	shalt  }
0x80: {  	_ =	shalt  }
0x81: {  	_ =	shalt  }
0x82: {  	_ =	shalt  }
0x83: {  	_ =	shalt  }
0x84: {  	_ =	shalt  }
0x85: {  	_ =	shalt  }
0x86: {  	_ =	shalt  }
0x87: {  	_ =	shalt  }
.Lfunc_end0:
.L_simem_size_0:
called_computation_lowered:
.L_overlay_start_0:
0x88: {  	s2 =	sld [smem:$0x3FD9]  }
0x89: {  	s3 =	sld [smem:$0x3FFE];
	_ =	sdelay $0x1  }
0x8a: {  	s1 =	srdreg.scid  }
0x8b: {  	s0 =	sand.u32 $0x1, s1  }
0x8c: {  	s17 =	sshll.u32 s0, $0xA;
	s2 =	sadd.s32 s3, s2  }
0x8d: {  	s2 =	sadd.s32 s2, s17  }
0x8e: {  	[smem:$0x3FC6] =	sst s2  }
0x8f: {  	_ = 	snop  }
0x90: {  	s2 =	sld [smem:$0x3FD0];
	(tm) =	ssettm $0x1  }
0x91: {  	s18 =	sld [smem:$0x3FFB];
	_ =	sdelay $0x3  }
0x92: {  	_ =	strace s18  }
0x93: {  	s3 =	sld [smem:$0x3FFC];
	_ =	sdelay $0x3  }
0x94: {  	_ =	strace s3  }
0x95: {  	s3 =	sld [smem:$0x3FFD];
	_ =	sdelay $0x3  }
0x96: {  	_ =	strace s3  }
0x97: {  	_ =	strace $0x8FFFFFFF  }
0x98: {  	s19 =	sld [smem:$0x3FDB];
	_ =	sdelay $0x1  }
0x99: {  	s4 =	simm.s32 $_scs_section_size  }
0x9a: {  	s5 =	simm.s32 $_size__tile_overlayer_lowered;
	s6 =	simm.s32 $_tile_overlayer_lowered  }
0x9b: {  	s22 =	simm.s32 $0x1BFF;
	s21 =	sshll.u32 s6, $0x1;
	s3 =	sadd.s32 s4, s19  }
0x9c: {  	s7 =	simm.s32 $0x0;
	s20 =	sshll.u32 s5, $0x1;
	s5 =	sadd.s32 s21, s3  }
0x9d: {  	[timem:s7], [sflag:s22] =	dma.local [hbm:s5], s20  }
0x9e: {  	_ =	swait.ge [sflag:s22], s20  }
0x9f: {  	s4 =	ssub.s32 $0x0, s20;
	[sflag:s22] =	ssyncset.done $0x0  }
0xa0: {  	[sflag:s22] =	ssyncadd.s32 s4;
	_ =	sdelay $0x1  }
0xa1: {  	s23 =	simm.s32 $0x1B8B  }
0xa2: {  	_ =	swait.ge [sflag:s23], $0x1  }
0xa3: {  	[sflag:s23] =	ssyncset.done $0x0  }
0xa4: {  	s25 =	simm.s32 $0x1B8E;
	s24 =	sld [smem:$0x3FFE];
	[sflag:s23] =	ssyncadd.s32 $0xFFFFFFFF  }
0xa5: {  	s26 =	simm.s32 $execute0_lowered;
	[smem:$0x3FD2] =	sst s25  }
0xa6: {  	s5 =	sshll.u32 s26, $0x1;
	_ =	strace $0x80000046;
	[dreg:$0x1] =	wrdreg $0xFFFFFFFF  }
0xa7: {  	s28 =	simm.s32 $_size_execute0_lowered;
	s3 =	sadd.s32 s3, s5;
	[dreg:$0x0] =	wrdreg $0x0  }
0xa8: {  	s5 =	sshll.u32 s28, $0x1;
	[dreg:$0x2] =	wrdreg s3  }
0xa9: {  	[dreg:$0x3] =	wrdreg s5  }
0xaa: {  	[dreg:$0x4] =	wrdreg $0xC0  }
0xab: {  	_ =	task [dreg:s7], $0x5FFFF  }
0xac: {  	[dreg:$0x1] =	wrdreg $0xFFFFFFFF  }
0xad: {  	[dreg:$0x0] =	wrdreg $0x60  }
0xae: {  	[dreg:$0x2] =	wrdreg s24  }
0xaf: {  	[dreg:$0x3] =	wrdreg s2  }
0xb0: {  	[dreg:$0x4] =	wrdreg $0x9  }
0xb1: {  	_ =	task.clear_ibuf [dreg:s7], $0x5FFFF;
	_ =	strace $0x90000046  }
0xb2: {  	s29 =	simm.s32 $0x9;
	_ =	strace $0x80000048  }
0xb3: {  	_ =	swait.ge [sflag:s29], $0x1  }
0xb4: {  	[sflag:s29] =	ssyncadd.s32 $0xFFFFFFFF  }
0xb5: {  	_ =	strace $0x90000048  }
0xb6: {  	_ =	sfence  }
0xb7: {  	s30 =	sld [smem:$0x0];
	_ =	sdelay $0x2  }
0xb8: {  	s31 =	sshll.u32 s1, $0xD;
	s1 =	sshrl.u32 s1, $0x2  }
0xb9: {  	s3 =	sand.u32 $0x4000, s31;
	s1 =	sadd.s32 s1, s30  }
0xba: {  	s0 =	sor.u32 s3, s0;
	s1 =	sshll.u32 s1, $0x11  }
0xbb: {  	s0 =	sor.u32 s1, s0  }
0xbc: {  	s0 =	sadd.s32 $0x8F2B, s0  }
0xbd: {  	[sflag:s0] =	ssyncadd.remote.s32 $0x1  }
0xbe: {  	_ =	sfence.sel $0xFFFF  }
0xbf: {  	[dreg:$0x0] =	wrdreg $0xFFFFFFFF;
	(pc) =	sbr.abs _section_cstart, $3  }
0xc0: {  	[dreg:$0x1] =	wrdreg $0xFFFFFFFF  }
0xc1: {  	_ =	task.clear_ibuf [dreg:s7], $0x2FFFF;
	_ =	strace $0x9FFFFFFF  }
0xc2: {  	(tm) =	ssettm $0x7FFFFFFF  }
0xc3: {  	_ =	shalt  }
tec
execute0_lowered:
.L_overlay_start_1:
0x0: {  	(tag) =	ssettag $0x1  }
0x1: {  	s0 =	rddreg [dreg:$0x0]  }
0x2: {  	s2 =	rddreg [dreg:$0x1];
	s1 =	srdreg.scid  }
0x3: {  	s6 =	stileid.u32;
	s3 =	simm.s32 $0x0;
	s28 =	simm.s32 $0x6  }
0x4: {  	s29 =	simm.s32 $0x7;
	s1 =	sand.u32 $0x1, s1;
	s4 =	sshll.u32 s6, $0x1  }
0x5: {  	[smem:$0x7FF] =	sst s3;
	s7 =	sshrl.u32 s6, $0x1;
	s6 =	sadd.s32 $0x4B0400, s0  }
0x6: {  	s5 =	sor.u32 s1, s4;
	_ =	strace $0x80000047;
	s8 =	smul.u32 $0x4B0000, s7  }
0x7: {  	s15 =	ssub.s32 $0x2, s1;
	s4 =	smul.u32 $0x30, s5;
	s5 =	sshll.u32 s5, $0x3  }
0x8: {  	s11 =	sshrl.u32 s15, $0x1;
	s14 =	sand.u32 $0x18, s5;
	s5 =	sadd.s32 $0x400, s0  }
0x9: {  	s0 =	ssub.s32 s15, s11;
	s9 =	smul.u32 $0x25800, s14;
	s10 =	sor.u32 $0x2, s4  }
0xa: {  	s17 =	sor.u32 $0x1, s4;
	s20 =	sor.u32 $0x3, s4;
	s16 =	smul.u32 $0x2AAB, s10  }
0xb: {  	s14 =	simm.s32 $0x1;
	s0 =	smax.u32 s0, $0x1;
	s13 =	smul.u32 $0x2AAB, s17  }
0xc: {  	p0 =	slt.u32 s10, $0x6;
	s15 =	smul.u32 $0x2AAB, s20;
	s8 =	sadd.s32 s8, s9  }
0xd: {  	p5 =	slt.u32 s20, $0x6;
	[dreg:$0xb] =	wrdreg s0;
	s12 =	sshrl.u32 s8, $0x3  }
0xe: {  	s1 =	sshrl.u32 s16, $0x10;
	s19 =	sshrl.u32 s13, $0x10;
	s22 =	sshrl.u32 s15, $0x10  }
0xf: {  	s16 =	sadd.s32 s5, s12;
	s18 =	sand.u32 $0x1F, s1;
	s12 =	smul.u32 $0x6, s19  }
0x10: {  	s15 =	sand.u32 $0x1F, s22;
	s1 =	smul.u32 $0x6, s1;
	p1 =	sne.s32 s18, $0x0  }
0x11: {  	[dreg:$0x3] =	wrdreg s16;
	s16 =	sadd.s32 $0x4800, s16;
	s11 =	smul.u32 $0x25800, s18  }
0x12: {  	p6 =	sne.s32 s15, $0x0;
	s24 =	smul.u32 $0x25800, s15;
	p0 =	por !p0, !p1  }
0x13: {  	[dreg:$0x4] =	wrdreg s16;
	s9 =	ssub.s32 s17, s12;
	s16 =	simm.s32 $0x1  }
0x14: {  	s1 =	ssub.s32 s10, s1;
	p0 =	por !p0, !p0;
	s9 =	sshll.u32 s9, $0xA  }
0x15: {  	s1 =	sshll.u32 s1, $0xA;
	s14 =	simm.s32 @!p0 $0x0;
	s9 =	sand.u32 $0xFC00, s9  }
0x16: {  	p0 =	por !p5, !p6;
	s1 =	sand.u32 $0xF800, s1;
	s21 =	ssub.s32 s7, s14  }
0x17: {  	s14 =	smul.u32 $0x6, s22;
	p0 =	por !p0, !p0;
	s8 =	sor.u32 s9, s8  }
0x18: {  	s1 =	sadd.s32 s1, s11;
	s12 =	smul.u32 $0x4B0000, s21;
	s16 =	simm.s32 @!p0 $0x0  }
0x19: {  	s8 =	sshrl.u32 s8, $0x3;
	s23 =	ssub.s32 s20, s14;
	s7 =	ssub.s32 s7, s16  }
0x1a: {  	s8 =	sadd.s32 s5, s8;
	s10 =	sshll.u32 s23, $0xA;
	s7 =	smul.u32 $0x4B0000, s7  }
0x1b: {  	s1 =	sadd.s32 s12, s1;
	[dreg:$0x5] =	wrdreg s8;
	s10 =	sand.u32 $0xFC00, s10  }
0x1c: {  	s8 =	sadd.s32 $0x4800, s8;
	s1 =	sshrl.u32 s1, $0x3;
	s25 =	sadd.s32 s10, s24  }
0x1d: {  	[dreg:$0x6] =	wrdreg s8;
	s1 =	sadd.s32 s5, s1;
	s7 =	sadd.s32 s7, s25  }
0x1e: {  	[dreg:$0x7] =	wrdreg s1;
	s1 =	sadd.s32 $0x4800, s1;
	s7 =	sshrl.u32 s7, $0x3  }
0x1f: {  	s30 =	simm.s32 $0x8;
	[dreg:$0x9] =	wrdreg s1;
	s7 =	sadd.s32 s5, s7  }
0x20: {  	s31 =	simm.s32 $0x0;
	[dreg:$0x8] =	wrdreg s7;
	s26 =	sadd.s32 $0x4800, s7  }
0x21: {  	s17 =	simm.s32 $0x1800;
	s16 =	simm.s32 $0x400;
	[dreg:$0xa] =	wrdreg s26  }
.LBB2_1:
0x22: {  	s0 =	rddreg [dreg:$0x3]  }
0x23: {  	s12 =	rddreg [dreg:$0x4]  }
0x24: {  	s13 =	rddreg [dreg:$0x5]  }
0x25: {  	[tilespmem:s3], [sflag:$0x1] =	stream.strided.gather [hbm4b:s0+s16], $0x6000, s17, s16, $0x38;
	[tilespmem:$0x1F700] =	vst v63  }
0x26: {  	s1 =	simm.s32 $0x6000;
	s15 =	rddreg [dreg:$0x6]  }
0x27: {  	[tilespmem:s1], [sflag:$0x1] =	stream.linear.gather [hbm4b:s12+s3], $0x200, $0x38;
	[tilespmem:$0x1F700] =	vst v63  }
0x28: {  	s14 =	simm.s32 $0x6400;
	s19 =	rddreg [dreg:$0x7]  }
0x29: {  	[tilespmem:s14], [sflag:$0x2] =	stream.strided.gather [hbm4b:s13+s16], $0x6000, s17, s16, $0x38;
	[tilespmem:$0x1F700] =	vst v63  }
0x2a: {  	s18 =	simm.s32 $0xC400;
	s21 =	rddreg [dreg:$0x9]  }
0x2b: {  	[tilespmem:s18], [sflag:$0x2] =	stream.linear.gather [hbm4b:s15+s3], $0x200, $0x38;
	[tilespmem:$0x1F700] =	vst v63  }
0x2c: {  	s20 =	simm.s32 $0xC800;
	s22 =	simm.s32 $0x12800;
	s23 =	rddreg [dreg:$0x8]  }
0x2d: {  	[tilespmem:s20], [sflag:$0x3] =	stream.strided.gather [hbm4b:s19+s16], $0x6000, s17, s16, $0x38;
	[tilespmem:$0x1F700] =	vst v63  }
0x2e: {  	s24 =	simm.s32 $0x12C00;
	s25 =	rddreg [dreg:$0xa];
	s26 =	simm.s32 $0x18C00  }
0x2f: {  	[tilespmem:s22], [sflag:$0x3] =	stream.linear.gather [hbm4b:s21+s3], $0x200, $0x38;
	[tilespmem:$0x1F700] =	vst v63  }
0x30: {  	s1 =	simm.s32 $0x310;
	s18 =	simm.s32 $0x320;
	s19 =	simm.s32 $0x330  }
0x31: {  	[tilespmem:s24], [sflag:$0x4] =	stream.strided.gather [hbm4b:s23+s16], $0x6000, s17, s16, $0x38;
	[tilespmem:$0x1F700] =	vst v63  }
0x32: {  	s20 =	simm.s32 $0x340;
	s21 =	simm.s32 $0x350;
	s22 =	simm.s32 $0x360  }
0x33: {  	[tilespmem:s26], [sflag:$0x4] =	stream.linear.gather [hbm4b:s25+s3], $0x200, $0x38;
	[tilespmem:$0x1F700] =	vst v63  }
0x34: {  	s23 =	simm.s32 $0x370;
	s24 =	simm.s32 $0x0;
	s26 =	simm.s32 $0x300  }
.LBB2_2:
0x35: {  	s13 =	sadd.s32 s4, s24  }
0x36: {  	s7 =	smulhi.u32 $0xAAAAAAAB, s13;
	_ =	sdelay $0x1  }
0x37: {  	s0 =	sshrl.u32 s7, $0x2  }
0x38: {  	s8 =	smul.u32 $0x6, s0  }
0x39: {  	s9 =	smul.u32 $0xCD, s24  }
0x3a: {  	s8 =	ssub.s32 s13, s8  }
0x3b: {  	s9 =	sshrl.u32 s9, $0xA;
	s10 =	sand.u32 $0x1F, s0;
	p0 =	sne.s32 s8, $0x0  }
0x3c: {  	s15 =	sand.u32 $0x3F, s9;
	s9 =	smul.u32 @!p0 $0x60, s10  }
0x3d: {  	s0 =	smul.u32 $0x5, s15  }
0x3e: {  	s11 =	simm.s32 @!p0 $0x0;
	s12 =	simm.s32 @!p0 $0x1F400;
	s9 =	sadd.s32 @!p0 s2, s9  }
0x3f: {  	[tilespmem:s12], [sflag:$0xB] =	stream.linear.gather @!p0 [hbm4b:s9+s11], $0x300, $0x38;
	[tilespmem:$0x1F700] =	vst v63  }
0x40: {  	s9 =	simm.s32 @!p0 $0xB  }
0x41: {  	s0 =	ssub.s32 s24, s0;
	_ =	swait.ge @!p0 [sflag:s9], $0x300  }
0x42: {  	s14 =	sand.u32 $0xFF, s0;
	[sflag:s9] =	ssyncset.done @!p0 $0x0  }
0x43: {  	s0 =	sadd.s32 $0x1, s14;
	[sflag:s9] =	ssyncadd.s32 @!p0 $0xFFFFFD00  }
0x44: {  	_ =	swait.ge [sflag:s0], $0x6200  }
0x45: {  	s25 =	smulhi.u32 $0xCCCCCCCD, s24;
	s12 =	sshll.u32 s8, $0x7;
	[sflag:s0] =	ssyncset.done $0x0  }
0x46: {  	s11 =	sand.u32 $0x3FFFFF80, s12;
	[sflag:s0] =	ssyncadd.s32 $0xFFFF9E00  }
0x47: {  	s15 =	sshrl.u32 s25, $0x2;
	v0 =	vld [tilespmem:s11+$0x1F400]  }
0x48: {  	s0 =	smul.u32 $0xFFF83000, s15;
	_ =	sdelay $0x1  }
0x49: {  	s9 =	sshra.s32 s0, $0x2  }
0x4a: {  	s12 =	sadd.s32 s9, s26  }
0x4b: {  	[tilespmem:s12+$0x0] =	vst.add.f32.msk $0xffff, v0  }
0x4c: {  	[tilespmem:s12+$0xFFFFFD00] =	vst.add.f32.msk $0xffff, v0  }
0x4d: {  	s25 =	smul.u32 $0x19000, s14;
	[tilespmem:s12+$0xFFFFFD80] =	vst.add.f32.msk $0xffff, v0  }
0x4e: {  	[tilespmem:s12+$0xFFFFFE00] =	vst.add.f32.msk $0xffff, v0  }
0x4f: {  	s15 =	sshrl.u32 s25, $0x2;
	s25 =	simm.s32 $0x0;
	s0 =	smov.u32 s26;
	[tilespmem:s12+$0xFFFFFE80] =	vst.add.f32.msk $0xffff, v0  }
.LBB2_3:
0x50: {  	s25 =	sadd.s32 $0x7, s25;
	[tilespmem:s12+$0xFFFFFF00] =	vst.add.f32.msk $0xffff, v0;
	s0 =	sadd.s32 $0x380, s0  }
0x51: {  	p0 =	slt.u32 s25, $0xBD;
	[tilespmem:s12+$0xFFFFFF80] =	vst.add.f32.msk $0xffff, v0;
	s12 =	sadd.s32 s9, s0  }
.Ltmp0:
0x52: {  	[tilespmem:s12+$0x0] =	vst.add.f32.msk $0xffff, v0;
	(pc) =	sbr.rel @p0 .LBB2_3-.Ltmp0, $4  }
0x53: {  	[tilespmem:s12+$0xFFFFFD00] =	vst.add.f32.msk $0xffff, v0  }
0x54: {  	[tilespmem:s12+$0xFFFFFD80] =	vst.add.f32.msk $0xffff, v0  }
0x55: {  	[tilespmem:s12+$0xFFFFFE00] =	vst.add.f32.msk $0xffff, v0  }
0x56: {  	[tilespmem:s12+$0xFFFFFE80] =	vst.add.f32.msk $0xffff, v0  }
0x57: {  	[tilespmem:s12+$0xFFFFFF00] =	vst.add.f32.msk $0xffff, v0  }
0x58: {  	[tilespmem:s12+$0xFFFFFF80] =	vst.add.f32.msk $0xffff, v0  }
0x59: {  	v0 =	vld [tilespmem:s11+$0x1F410];
	_ =	sdelay $0x3  }
0x5a: {  	s12 =	sadd.s32 s9, s1  }
0x5b: {  	[tilespmem:s12+$0x0] =	vst.add.f32.msk $0xffff, v0  }
0x5c: {  	[tilespmem:s12+$0xFFFFFD00] =	vst.add.f32.msk $0xffff, v0  }
0x5d: {  	[tilespmem:s12+$0xFFFFFD80] =	vst.add.f32.msk $0xffff, v0  }
0x5e: {  	[tilespmem:s12+$0xFFFFFE00] =	vst.add.f32.msk $0xffff, v0  }
0x5f: {  	[tilespmem:s12+$0xFFFFFE80] =	vst.add.f32.msk $0xffff, v0  }
0x60: {  	s25 =	simm.s32 $0x0;
	s0 =	sadd.s32 $0x380, s1;
	[tilespmem:s12+$0xFFFFFF00] =	vst.add.f32.msk $0xffff, v0  }
.LBB2_5:
0x61: {  	s25 =	sadd.s32 $0x7, s25;
	[tilespmem:s12+$0xFFFFFF80] =	vst.add.f32.msk $0xffff, v0;
	s12 =	sadd.s32 s9, s0  }
0x62: {  	[tilespmem:s12+$0x0] =	vst.add.f32.msk $0xffff, v0;
	p0 =	slt.u32 s25, $0xBD  }
.Ltmp1:
0x63: {  	[tilespmem:s12+$0xFFFFFD00] =	vst.add.f32.msk $0xffff, v0;
	(pc) =	sbr.rel @p0 .LBB2_5-.Ltmp1, $4  }
0x64: {  	[tilespmem:s12+$0xFFFFFD80] =	vst.add.f32.msk $0xffff, v0  }
0x65: {  	[tilespmem:s12+$0xFFFFFE00] =	vst.add.f32.msk $0xffff, v0  }
0x66: {  	[tilespmem:s12+$0xFFFFFE80] =	vst.add.f32.msk $0xffff, v0  }
0x67: {  	s0 =	sadd.s32 $0x380, s0;
	[tilespmem:s12+$0xFFFFFF00] =	vst.add.f32.msk $0xffff, v0  }
0x68: {  	[tilespmem:s12+$0xFFFFFF80] =	vst.add.f32.msk $0xffff, v0  }
0x69: {  	v0 =	vld [tilespmem:s11+$0x1F420];
	_ =	sdelay $0x3  }
0x6a: {  	s12 =	sadd.s32 s9, s18  }
0x6b: {  	[tilespmem:s12+$0x0] =	vst.add.f32.msk $0xffff, v0  }
0x6c: {  	[tilespmem:s12+$0xFFFFFD00] =	vst.add.f32.msk $0xffff, v0  }
0x6d: {  	[tilespmem:s12+$0xFFFFFD80] =	vst.add.f32.msk $0xffff, v0  }
0x6e: {  	[tilespmem:s12+$0xFFFFFE00] =	vst.add.f32.msk $0xffff, v0  }
0x6f: {  	[tilespmem:s12+$0xFFFFFE80] =	vst.add.f32.msk $0xffff, v0  }
0x70: {  	s25 =	simm.s32 $0x0;
	s0 =	sadd.s32 $0x380, s18;
	[tilespmem:s12+$0xFFFFFF00] =	vst.add.f32.msk $0xffff, v0  }
.LBB2_7:
0x71: {  	s25 =	sadd.s32 $0x7, s25;
	[tilespmem:s12+$0xFFFFFF80] =	vst.add.f32.msk $0xffff, v0;
	s12 =	sadd.s32 s9, s0  }
0x72: {  	[tilespmem:s12+$0x0] =	vst.add.f32.msk $0xffff, v0;
	p0 =	slt.u32 s25, $0xBD  }
.Ltmp2:
0x73: {  	[tilespmem:s12+$0xFFFFFD00] =	vst.add.f32.msk $0xffff, v0;
	(pc) =	sbr.rel @p0 .LBB2_7-.Ltmp2, $4  }
0x74: {  	[tilespmem:s12+$0xFFFFFD80] =	vst.add.f32.msk $0xffff, v0  }
0x75: {  	[tilespmem:s12+$0xFFFFFE00] =	vst.add.f32.msk $0xffff, v0  }
0x76: {  	[tilespmem:s12+$0xFFFFFE80] =	vst.add.f32.msk $0xffff, v0  }
0x77: {  	s0 =	sadd.s32 $0x380, s0;
	[tilespmem:s12+$0xFFFFFF00] =	vst.add.f32.msk $0xffff, v0  }
0x78: {  	[tilespmem:s12+$0xFFFFFF80] =	vst.add.f32.msk $0xffff, v0  }
0x79: {  	v0 =	vld [tilespmem:s11+$0x1F430];
	_ =	sdelay $0x3  }
0x7a: {  	s12 =	sadd.s32 s9, s19  }
0x7b: {  	[tilespmem:s12+$0x0] =	vst.add.f32.msk $0xffff, v0  }
0x7c: {  	[tilespmem:s12+$0xFFFFFD00] =	vst.add.f32.msk $0xffff, v0  }
0x7d: {  	[tilespmem:s12+$0xFFFFFD80] =	vst.add.f32.msk $0xffff, v0  }
0x7e: {  	[tilespmem:s12+$0xFFFFFE00] =	vst.add.f32.msk $0xffff, v0  }
0x7f: {  	[tilespmem:s12+$0xFFFFFE80] =	vst.add.f32.msk $0xffff, v0  }
0x80: {  	s25 =	simm.s32 $0x0;
	s0 =	sadd.s32 $0x380, s19;
	[tilespmem:s12+$0xFFFFFF00] =	vst.add.f32.msk $0xffff, v0  }
.LBB2_9:
0x81: {  	s25 =	sadd.s32 $0x7, s25;
	[tilespmem:s12+$0xFFFFFF80] =	vst.add.f32.msk $0xffff, v0;
	s12 =	sadd.s32 s9, s0  }
0x82: {  	[tilespmem:s12+$0x0] =	vst.add.f32.msk $0xffff, v0;
	p0 =	slt.u32 s25, $0xBD  }
.Ltmp3:
0x83: {  	[tilespmem:s12+$0xFFFFFD00] =	vst.add.f32.msk $0xffff, v0;
	(pc) =	sbr.rel @p0 .LBB2_9-.Ltmp3, $4  }
0x84: {  	[tilespmem:s12+$0xFFFFFD80] =	vst.add.f32.msk $0xffff, v0  }
0x85: {  	[tilespmem:s12+$0xFFFFFE00] =	vst.add.f32.msk $0xffff, v0  }
0x86: {  	[tilespmem:s12+$0xFFFFFE80] =	vst.add.f32.msk $0xffff, v0  }
0x87: {  	s0 =	sadd.s32 $0x380, s0;
	[tilespmem:s12+$0xFFFFFF00] =	vst.add.f32.msk $0xffff, v0  }
0x88: {  	[tilespmem:s12+$0xFFFFFF80] =	vst.add.f32.msk $0xffff, v0  }
0x89: {  	v0 =	vld [tilespmem:s11+$0x1F440];
	_ =	sdelay $0x3  }
0x8a: {  	s12 =	sadd.s32 s9, s20  }
0x8b: {  	[tilespmem:s12+$0x0] =	vst.add.f32.msk $0xffff, v0  }
0x8c: {  	[tilespmem:s12+$0xFFFFFD00] =	vst.add.f32.msk $0xffff, v0  }
0x8d: {  	[tilespmem:s12+$0xFFFFFD80] =	vst.add.f32.msk $0xffff, v0  }
0x8e: {  	[tilespmem:s12+$0xFFFFFE00] =	vst.add.f32.msk $0xffff, v0  }
0x8f: {  	[tilespmem:s12+$0xFFFFFE80] =	vst.add.f32.msk $0xffff, v0  }
0x90: {  	s25 =	simm.s32 $0x0;
	s0 =	sadd.s32 $0x380, s20;
	[tilespmem:s12+$0xFFFFFF00] =	vst.add.f32.msk $0xffff, v0  }
.LBB2_11:
0x91: {  	s25 =	sadd.s32 $0x7, s25;
	[tilespmem:s12+$0xFFFFFF80] =	vst.add.f32.msk $0xffff, v0;
	s12 =	sadd.s32 s9, s0  }
0x92: {  	[tilespmem:s12+$0x0] =	vst.add.f32.msk $0xffff, v0;
	p0 =	slt.u32 s25, $0xBD  }
.Ltmp4:
0x93: {  	[tilespmem:s12+$0xFFFFFD00] =	vst.add.f32.msk $0xffff, v0;
	(pc) =	sbr.rel @p0 .LBB2_11-.Ltmp4, $4  }
0x94: {  	[tilespmem:s12+$0xFFFFFD80] =	vst.add.f32.msk $0xffff, v0  }
0x95: {  	[tilespmem:s12+$0xFFFFFE00] =	vst.add.f32.msk $0xffff, v0  }
0x96: {  	[tilespmem:s12+$0xFFFFFE80] =	vst.add.f32.msk $0xffff, v0  }
0x97: {  	s0 =	sadd.s32 $0x380, s0;
	[tilespmem:s12+$0xFFFFFF00] =	vst.add.f32.msk $0xffff, v0  }
0x98: {  	[tilespmem:s12+$0xFFFFFF80] =	vst.add.f32.msk $0xffff, v0  }
0x99: {  	v0 =	vld [tilespmem:s11+$0x1F450];
	_ =	sdelay $0x3  }
0x9a: {  	s12 =	sadd.s32 s9, s21  }
0x9b: {  	[tilespmem:s12+$0x0] =	vst.add.f32.msk $0xffff, v0  }
0x9c: {  	[tilespmem:s12+$0xFFFFFD00] =	vst.add.f32.msk $0xffff, v0  }
0x9d: {  	[tilespmem:s12+$0xFFFFFD80] =	vst.add.f32.msk $0xffff, v0  }
0x9e: {  	[tilespmem:s12+$0xFFFFFE00] =	vst.add.f32.msk $0xffff, v0  }
0x9f: {  	[tilespmem:s12+$0xFFFFFE80] =	vst.add.f32.msk $0xffff, v0  }
0xa0: {  	s25 =	simm.s32 $0x0;
	s0 =	sadd.s32 $0x380, s21;
	[tilespmem:s12+$0xFFFFFF00] =	vst.add.f32.msk $0xffff, v0  }
.LBB2_13:
0xa1: {  	s25 =	sadd.s32 $0x7, s25;
	[tilespmem:s12+$0xFFFFFF80] =	vst.add.f32.msk $0xffff, v0;
	s12 =	sadd.s32 s9, s0  }
0xa2: {  	[tilespmem:s12+$0x0] =	vst.add.f32.msk $0xffff, v0;
	p0 =	slt.u32 s25, $0xBD  }
.Ltmp5:
0xa3: {  	[tilespmem:s12+$0xFFFFFD00] =	vst.add.f32.msk $0xffff, v0;
	(pc) =	sbr.rel @p0 .LBB2_13-.Ltmp5, $4  }
0xa4: {  	[tilespmem:s12+$0xFFFFFD80] =	vst.add.f32.msk $0xffff, v0  }
0xa5: {  	[tilespmem:s12+$0xFFFFFE00] =	vst.add.f32.msk $0xffff, v0  }
0xa6: {  	[tilespmem:s12+$0xFFFFFE80] =	vst.add.f32.msk $0xffff, v0  }
0xa7: {  	s0 =	sadd.s32 $0x380, s0;
	[tilespmem:s12+$0xFFFFFF00] =	vst.add.f32.msk $0xffff, v0  }
0xa8: {  	[tilespmem:s12+$0xFFFFFF80] =	vst.add.f32.msk $0xffff, v0  }
0xa9: {  	v0 =	vld [tilespmem:s11+$0x1F460];
	_ =	sdelay $0x3  }
0xaa: {  	s12 =	sadd.s32 s9, s22  }
0xab: {  	[tilespmem:s12+$0x0] =	vst.add.f32.msk $0xffff, v0  }
0xac: {  	[tilespmem:s12+$0xFFFFFD00] =	vst.add.f32.msk $0xffff, v0  }
0xad: {  	[tilespmem:s12+$0xFFFFFD80] =	vst.add.f32.msk $0xffff, v0  }
0xae: {  	[tilespmem:s12+$0xFFFFFE00] =	vst.add.f32.msk $0xffff, v0  }
0xaf: {  	[tilespmem:s12+$0xFFFFFE80] =	vst.add.f32.msk $0xffff, v0  }
0xb0: {  	s25 =	simm.s32 $0x0;
	s0 =	sadd.s32 $0x380, s22;
	[tilespmem:s12+$0xFFFFFF00] =	vst.add.f32.msk $0xffff, v0  }
.LBB2_15:
0xb1: {  	s25 =	sadd.s32 $0x7, s25;
	[tilespmem:s12+$0xFFFFFF80] =	vst.add.f32.msk $0xffff, v0;
	s12 =	sadd.s32 s9, s0  }
0xb2: {  	[tilespmem:s12+$0x0] =	vst.add.f32.msk $0xffff, v0;
	p0 =	slt.u32 s25, $0xBD  }
.Ltmp6:
0xb3: {  	[tilespmem:s12+$0xFFFFFD00] =	vst.add.f32.msk $0xffff, v0;
	(pc) =	sbr.rel @p0 .LBB2_15-.Ltmp6, $4  }
0xb4: {  	[tilespmem:s12+$0xFFFFFD80] =	vst.add.f32.msk $0xffff, v0  }
0xb5: {  	[tilespmem:s12+$0xFFFFFE00] =	vst.add.f32.msk $0xffff, v0  }
0xb6: {  	[tilespmem:s12+$0xFFFFFE80] =	vst.add.f32.msk $0xffff, v0  }
0xb7: {  	s0 =	sadd.s32 $0x380, s0;
	[tilespmem:s12+$0xFFFFFF00] =	vst.add.f32.msk $0xffff, v0  }
0xb8: {  	[tilespmem:s12+$0xFFFFFF80] =	vst.add.f32.msk $0xffff, v0  }
0xb9: {  	v0 =	vld [tilespmem:s11+$0x1F470];
	_ =	sdelay $0x3  }
0xba: {  	s11 =	sadd.s32 s9, s23  }
0xbb: {  	[tilespmem:s11+$0x0] =	vst.add.f32.msk $0xffff, v0  }
0xbc: {  	[tilespmem:s11+$0xFFFFFD00] =	vst.add.f32.msk $0xffff, v0  }
0xbd: {  	[tilespmem:s11+$0xFFFFFD80] =	vst.add.f32.msk $0xffff, v0  }
0xbe: {  	[tilespmem:s11+$0xFFFFFE00] =	vst.add.f32.msk $0xffff, v0  }
0xbf: {  	[tilespmem:s11+$0xFFFFFE80] =	vst.add.f32.msk $0xffff, v0  }
0xc0: {  	s12 =	simm.s32 $0x0;
	s0 =	sadd.s32 $0x380, s23;
	[tilespmem:s11+$0xFFFFFF00] =	vst.add.f32.msk $0xffff, v0  }
.LBB2_17:
0xc1: {  	s12 =	sadd.s32 $0x7, s12;
	[tilespmem:s11+$0xFFFFFF80] =	vst.add.f32.msk $0xffff, v0;
	s11 =	sadd.s32 s9, s0  }
0xc2: {  	[tilespmem:s11+$0x0] =	vst.add.f32.msk $0xffff, v0;
	p0 =	slt.u32 s12, $0xBD  }
.Ltmp7:
0xc3: {  	[tilespmem:s11+$0xFFFFFD00] =	vst.add.f32.msk $0xffff, v0;
	(pc) =	sbr.rel @p0 .LBB2_17-.Ltmp7, $4  }
0xc4: {  	[tilespmem:s11+$0xFFFFFD80] =	vst.add.f32.msk $0xffff, v0  }
0xc5: {  	[tilespmem:s11+$0xFFFFFE00] =	vst.add.f32.msk $0xffff, v0  }
0xc6: {  	[tilespmem:s11+$0xFFFFFE80] =	vst.add.f32.msk $0xffff, v0  }
0xc7: {  	s0 =	sadd.s32 $0x380, s0;
	[tilespmem:s11+$0xFFFFFF00] =	vst.add.f32.msk $0xffff, v0  }
0xc8: {  	p0 =	slt.u32 s13, $0x6;
	p1 =	sne.s32 s10, $0x0  }
0xc9: {  	p0 =	por !p0, !p1  }
0xca: {  	s0 =	simm.s32 $0x1;
	p0 =	por !p0, !p0  }
0xcb: {  	s7 =	sshrl.u32 s7, $0x7;
	s0 =	simm.s32 @!p0 $0x0  }
0xcc: {  	s13 =	smul.u32 $0x25800, s10;
	s0 =	ssub.s32 s7, s0  }
0xcd: {  	s8 =	sshll.u32 s8, $0xA;
	s0 =	smul.u32 $0x4B0000, s0  }
0xce: {  	s7 =	sadd.s32 s8, s13  }
0xcf: {  	s0 =	sadd.s32 s0, s7  }
0xd0: {  	s0 =	sshrl.u32 s0, $0x3  }
0xd1: {  	[tilespmem:s11+$0xFFFFFF80] =	vst.add.f32.msk $0xffff, v0;
	s14 =	sadd.s32 $0x6, s14;
	s0 =	sadd.s32 s6, s0  }
0xd2: {  	[hbm4b:s0+s16] =	stream.strided.scatter [tilespmem:s15], [sflag:s14], $0x6000, s17, s16, $0x38;
	[tilespmem:$0x1F700] =	vst v63  }
0xd3: {  	s25 =	sadd.s32 $0x6000, s15;
	s0 =	sadd.s32 $0x4800, s0  }
0xd4: {  	[hbm4b:s0+s3] =	stream.linear.scatter [tilespmem:s25], [sflag:s14], $0x200, $0x38;
	[tilespmem:$0x1F700] =	vst v63  }
0xd5: {  	p0 =	sgt.u32 s24, $0x2B;
	s0 =	sadd.s32 $0x4, s24  }
0xd6: {  	s7 =	sadd.s32 @!p0 s4, s0  }
0xd7: {  	s8 =	smulhi.u32 @!p0 $0xAAAAAAAB, s7  }
0xd8: {  	s9 =	smulhi.u32 $0xCCCCCCCD, s0  }
0xd9: {  	s10 =	sshrl.u32 @!p0 s8, $0x2  }
0xda: {  	s9 =	sshrl.u32 s9, $0x2;
	s11 =	sand.u32 @!p0 $0x1F, s10  }
0xdb: {  	p1 =	slt.u32 @!p0 s7, $0x6;
	s9 =	smul.u32 $0x5, s9;
	p2 =	sne.s32 @!p0 s11, $0x0  }
0xdc: {  	s8 =	sshrl.u32 @!p0 s8, $0x7;
	p2 =	por @!p0 !p1, !p2  }
0xdd: {  	s10 =	smul.u32 @!p0 $0x6, s10;
	s0 =	ssub.s32 s0, s9;
	p2 =	por @!p0 !p2, !p2  }
0xde: {  	s9 =	simm.s32 @!p0 $0x1;
	p1 =	seq.s32 @!p0 s24, $0x0;
	p2 =	por !p2, p0  }
0xdf: {  	s7 =	ssub.s32 @!p0 s7, s10;
	s10 =	simm.s32 @!p0 $0x1800;
	s9 =	simm.s32 @p2 $0x0  }
0xe0: {  	p1 =	por p1, p0;
	s8 =	ssub.s32 @!p0 s8, s9;
	s9 =	smul.u32 @!p0 $0x25800, s11  }
0xe1: {  	s7 =	sshll.u32 @!p0 s7, $0xA;
	s12 =	sadd.s32 @!p1 $0x6, s0;
	s8 =	smul.u32 @!p0 $0x4B0000, s8  }
0xe2: {  	s24 =	sadd.s32 $0x1, s24;
	_ =	swait.ge @!p1 [sflag:s12], $0x6200;
	s7 =	sadd.s32 @!p0 s7, s9  }
0xe3: {  	[sflag:s12] =	ssyncset.done @!p1 $0x0;
	s9 =	smul.u32 @!p0 $0x19000, s0;
	s7 =	sadd.s32 @!p0 s8, s7  }
0xe4: {  	[sflag:s12] =	ssyncadd.s32 @!p1 $0xFFFF9E00;
	s0 =	sadd.s32 @!p0 $0x1, s0;
	s7 =	sshrl.u32 @!p0 s7, $0x3  }
0xe5: {  	s8 =	sshra.s32 @!p0 s9, $0x2;
	s9 =	simm.s32 @!p0 $0x400;
	s7 =	sadd.s32 @!p0 s5, s7  }
0xe6: {  	[tilespmem:s8], [sflag:s0] =	stream.strided.gather @!p0 [hbm4b:s7+s9], $0x6000, s10, s9, $0x38;
	[tilespmem:$0x1F700] =	vst v63  }
0xe7: {  	s7 =	sadd.s32 @!p0 $0x4800, s7;
	s8 =	sadd.s32 @!p0 $0x6000, s8;
	s9 =	simm.s32 @!p0 $0x0  }
0xe8: {  	[tilespmem:s8], [sflag:s0] =	stream.linear.gather @!p0 [hbm4b:s7+s9], $0x200, $0x38;
	[tilespmem:$0x1F700] =	vst v63  }
0xe9: {  	p0 =	sne.s32 s24, $0x30  }
.Ltmp8:
0xea: {  	_ = 	snop;
	(pc) =	sbr.rel @p0 .LBB2_2-.Ltmp8, $4  }
0xeb: {  	_ = 	snop  }
0xec: {  	s26 =	sadd.s32 $0x6400, s26;
	s1 =	sadd.s32 $0x6400, s1  }
0xed: {  	s18 =	sadd.s32 $0x6400, s18;
	s19 =	sadd.s32 $0x6400, s19;
	s20 =	sadd.s32 $0x6400, s20  }
0xee: {  	s21 =	sadd.s32 $0x6400, s21;
	s22 =	sadd.s32 $0x6400, s22;
	s23 =	sadd.s32 $0x6400, s23  }
0xef: {  	s0 =	simm.s32 $0x9  }
0xf0: {  	_ =	swait.ge [sflag:s0], $0x6200  }
0xf1: {  	[sflag:s0] =	ssyncset.done $0x0  }
0xf2: {  	s25 =	simm.s32 $0xA;
	[sflag:s0] =	ssyncadd.s32 $0xFFFF9E00  }
0xf3: {  	_ =	swait.ge [sflag:s25], $0x6200  }
0xf4: {  	[sflag:s25] =	ssyncset.done $0x0  }
0xf5: {  	[sflag:s25] =	ssyncadd.s32 $0xFFFF9E00  }
0xf6: {  	_ =	swait.ge [sflag:s28], $0x6200  }
0xf7: {  	[sflag:s28] =	ssyncset.done $0x0  }
0xf8: {  	[sflag:s28] =	ssyncadd.s32 $0xFFFF9E00  }
0xf9: {  	_ =	swait.ge [sflag:s29], $0x6200  }
0xfa: {  	[sflag:s29] =	ssyncset.done $0x0  }
0xfb: {  	[sflag:s29] =	ssyncadd.s32 $0xFFFF9E00  }
0xfc: {  	_ =	swait.ge [sflag:s30], $0x6200  }
0xfd: {  	s31 =	sadd.s32 $0x1, s31;
	s26 =	rddreg [dreg:$0xb]  }
0xfe: {  	p0 =	sne.s32 s31, s26  }
.Ltmp9:
0xff: {  	_ = 	snop;
	(pc) =	sbr.rel @p0 .LBB2_1-.Ltmp9, $3  }
0x100: {  	_ =	sdelay $0x1  }
0x101: {  	[sflag:s30] =	ssyncset.done $0x0  }
0x102: {  	[sflag:s30] =	ssyncadd.s32 $0xFFFF9E00  }
0x103: {  	_ =	sfence.sel $0x180000  }
0x104: {  	[bflag:$0x0] =	sbarrier.arrive $0xFFFF  }
0x105: {  	_ =	strace $0x90000047  }
0x106: {  	s0 =	stileid.u32;
	[bflag:$0x2] =	sbarrier.arrive $0xFFFF  }
0x107: {  	p0 =	sne.s32 s0, $0x0;
	s0 =	rddreg [dreg:$0x2]  }
0x108: {  	s0 =	sadd.s32 @!p0 $0x100000, s0  }
0x109: {  	[sflag:s0] =	ssyncadd.tile.s32 @!p0 $0x1;
	_ =	shalt  }
.Lfunc_end2:
_tile_overlayer_lowered:
.L_overlay_start_2:
0x10a: {  	(tag) =	ssettag $0x2  }
0x10b: {  	s0 =	rddreg [dreg:$0x0];
	s2 =	stileid.u32  }
0x10c: {  	s1 =	rddreg [dreg:$0x1];
	p0 =	sne.s32 s2, $0x0  }
0x10d: {  	s3 =	rddreg [dreg:$0x2];
	[bflag:$0x3] =	sbarrier.arrive $0xFFFF;
	s2 =	simm.s32 @!p0 $0x1C0B  }
0x10e: {  	[timem:s3], [sflag:s2] =	dma.local @!p0 [hbm:s0], s1  }
0x10f: {  	s0 =	simm.s32 @!p0 $0xB  }
0x110: {  	_ =	swait.ge @!p0 [sflag:s0], s1  }
0x111: {  	s1 =	ssub.s32 @!p0 $0x0, s1;
	[sflag:s0] =	ssyncset.done @!p0 $0x0  }
0x112: {  	[sflag:s0] =	ssyncadd.s32 @!p0 s1  }
0x113: {  	[bflag:$0x3] =	sbarrier.arrive $0xFFFF  }
0x114: {  	_ =	shalt  }

</sc_bundles>
